<compile_context>
chip_gen: v7x
topology: tpu7x:2x2x1
jax: 0.10.2.dev20260603
libtpu: 0.0.44.dev20260713+nightly
codegen_flags: <defaults>
</compile_context>

<pallas_src>
import functools

import jax
import jax.numpy as jnp
from jax import lax
from jax.experimental import pallas as pl
from jax.experimental.pallas import tpu as pltpu
from jax.experimental.pallas import tpu_sc as plsc

NC = 2
NS = 16
NW = NC * NS

B = 1024
NG = 64
GS = 8
D = 128
BPW = B // NW
GPW = NG // NW


def _sc_gather(members, item_inputs, user_table, item_table):
    mesh = plsc.VectorSubcoreMesh(core_axis_name="c", subcore_axis_name="s")

    @functools.partial(
        pl.kernel,
        mesh=mesh,
        compiler_params=pltpu.CompilerParams(needs_layout_passes=False),
        out_type=[
            jax.ShapeDtypeStruct((NG, GS, D), jnp.float32),
            jax.ShapeDtypeStruct((B, D), jnp.float32),
        ],
        scratch_types=[
            pltpu.VMEM((GPW, GS), jnp.int32),
            pltpu.VMEM((BPW,), jnp.int32),
            pltpu.VMEM((GPW, GS, D), jnp.float32),
            pltpu.VMEM((BPW, D), jnp.float32),
            pltpu.SemaphoreType.DMA,
            pltpu.SemaphoreType.DMA,
        ],
    )
    def k(memb_hbm, it_hbm, ut_hbm, itab_hbm, mrows_out, irows_out,
          uidx_v, iidx_v, mrows_v, irows_v, sem, sem2):
        wid = lax.axis_index("s") * NC + lax.axis_index("c")
        a0 = pltpu.async_copy(memb_hbm.at[pl.ds(wid * GPW, GPW)], uidx_v,
                              sem2)
        a1 = pltpu.async_copy(it_hbm.at[pl.ds(wid * BPW, BPW)], iidx_v, sem2)
        a0.wait()
        a1.wait()
        c0a = pltpu.async_copy(ut_hbm.at[uidx_v.at[0]], mrows_v.at[0], sem)
        c0b = pltpu.async_copy(ut_hbm.at[uidx_v.at[1]], mrows_v.at[1], sem)
        c1 = pltpu.async_copy(itab_hbm.at[iidx_v], irows_v, sem)
        c0a.wait()
        c0b.wait()
        c1.wait()
        w0 = pltpu.async_copy(mrows_v, mrows_out.at[pl.ds(wid * GPW, GPW)],
                              sem2)
        w1 = pltpu.async_copy(irows_v, irows_out.at[pl.ds(wid * BPW, BPW)],
                              sem2)
        w0.wait()
        w1.wait()

    return k(members, item_inputs, user_table, item_table)


def _tc_body(gi_ref, i_ref, m_ref, g64_ref, w1u_ref, w1i_ref, b1_ref,
             w2_ref, b2_ref, p1_ref, pb1_ref, p2_ref, pb2_ref, out_ref):
    gi = gi_ref[...].reshape(B, 1)
    v = i_ref[...]
    iota = lax.broadcasted_iota(jnp.int32, (B, NG), 1)
    onehot = (gi == iota).astype(jnp.float32)
    oh_bf = onehot.astype(jnp.bfloat16)
    hv = jnp.dot(v, w1i_ref[...], preferred_element_type=jnp.float32)
    w1u = w1u_ref[...]
    k_parts = [jnp.dot(m_ref[:, j, :], w1u,
                       preferred_element_type=jnp.float32)
               for j in range(GS)]
    k2 = jnp.concatenate(k_parts, axis=-1)
    e16 = (lax.broadcasted_iota(jnp.int32, (16, GS * 16), 0)
           == lax.broadcasted_iota(jnp.int32, (16, GS * 16), 1) % 16
           ).astype(jnp.float32)
    ohv = jnp.concatenate([onehot, hv], axis=-1)
    k2e = jnp.concatenate([k2, e16], axis=0)
    hu = jnp.dot(ohv, k2e, preferred_element_type=jnp.float32)
    b1t = jnp.concatenate([b1_ref[...]] * GS, axis=-1)
    h = jnp.maximum(hu + b1t, 0.0)
    sel = (lax.broadcasted_iota(jnp.int32, (GS * 16, GS), 0) // 16
           == lax.broadcasted_iota(jnp.int32, (GS * 16, GS), 1))
    w2big = jnp.concatenate([w2_ref[...].reshape(16, 1)] * GS, axis=0)
    w2sel = jnp.where(sel, w2big, 0.0)
    scores = jnp.dot(h, w2sel,
                     preferred_element_type=jnp.float32) + b2_ref[0, 0]
    m = jnp.max(scores, axis=-1, keepdims=True)
    e = jnp.exp(scores - m)
    at_wt = e / jnp.sum(e, axis=-1, keepdims=True)
    e8 = (lax.broadcasted_iota(jnp.int32, (GS, GS * D), 1) // D
          == lax.broadcasted_iota(jnp.int32, (GS, GS * D), 0)
          ).astype(jnp.float32)
    atb = jnp.dot(at_wt, e8, preferred_element_type=jnp.float32)
    mcat = jnp.concatenate(
        [m_ref[:, j, :] for j in range(GS)],
        axis=-1).astype(jnp.bfloat16)
    ucat = jnp.dot(oh_bf, mcat,
                   preferred_element_type=jnp.float32)
    w = atb * ucat
    g_att = None
    for j in range(GS):
        term = w[:, j * D:(j + 1) * D]
        g_att = term if g_att is None else g_att + term
    grp = jnp.dot(onehot, g64_ref[...], preferred_element_type=jnp.float32)
    x = (g_att + grp) * v
    t = jnp.dot(x, p1_ref[...], preferred_element_type=jnp.float32)
    t = jnp.maximum(t + pb1_ref[...], 0.0)
    p = jnp.dot(t, p2_ref[...].reshape(8, 1),
                preferred_element_type=jnp.float32)
    p = p.reshape(B) + pb2_ref[0, 0]
    out_ref[...] = 1.0 / (1.0 + jnp.exp(-p))


def _tc_compute(gi, irows, mrows, group_table, w1u, w1i, b1, w2, b2,
                p1, pb1, p2, pb2):
    full = lambda i: (0, 0)
    return pl.pallas_call(
        _tc_body,
        grid=(1,),
        in_specs=[
            pl.BlockSpec((B,), lambda i: (0,)),
            pl.BlockSpec((B, D), full),
            pl.BlockSpec((NG, GS, D), lambda i: (0, 0, 0)),
            pl.BlockSpec((NG, D), full),
            pl.BlockSpec((D, 16), full),
            pl.BlockSpec((D, 16), lambda i: (1, 0)),
            pl.BlockSpec((1, 16), full),
            pl.BlockSpec((1, 16), full),
            pl.BlockSpec((1, 1), full),
            pl.BlockSpec((D, 8), full),
            pl.BlockSpec((1, 8), full),
            pl.BlockSpec((1, 8), full),
            pl.BlockSpec((1, 1), full),
        ],
        out_specs=pl.BlockSpec((B,), lambda i: (0,)),
        out_shape=jax.ShapeDtypeStruct((B,), jnp.float32),
    )(gi, irows, mrows, group_table, w1u, w1i, b1, w2, b2, p1, pb1, p2, pb2)


def kernel(group_inputs, item_inputs, members, user_table, item_table,
           group_table, W1, b1, W2, b2, P1, pb1, P2, pb2):
    mrows, irows = _sc_gather(members, item_inputs,
                              user_table, item_table)
    out = _tc_compute(
        group_inputs, irows, mrows, group_table,
        W1, W1, b1.reshape(1, 16), W2.reshape(1, 16),
        b2.reshape(1, 1), P1, pb1.reshape(1, 8), P2.reshape(1, 8),
        pb2.reshape(1, 1))
    return out.reshape(B, 1)

# --- scband reference (transcript-rebuilt; emitter-appended) ---
"""Pipeline reference for scband-stmp-crl-58866821759225 (READ-ONLY COPY).

The authoritative reference and input builder live on the scoring server;
editing this copy changes nothing except your own understanding.
"""

import jax, jax.numpy as jnp
import numpy as np

NUM_USERS = 100000
NUM_ITEMS = 50000
NUM_GROUPS = 20000
D = 128
B = 1024
NG = 64
GS = 8


def setup_inputs(seed: int = 0) -> dict:
    key = jax.random.key(seed)
    ks = jax.random.split(key, 16)
    user_table = jax.random.normal(ks[0], (NUM_USERS, D), dtype=jnp.float32) * 0.05
    item_table = jax.random.normal(ks[1], (NUM_ITEMS, D), dtype=jnp.float32) * 0.05
    group_table = jax.random.normal(ks[2], (NUM_GROUPS, D), dtype=jnp.float32) * 0.05
    # AttentionLayer: Linear(2D,16) -> ReLU -> Linear(16,1)
    W1 = jax.random.normal(ks[3], (2 * D, 16), dtype=jnp.float32) * 0.05
    b1 = jnp.zeros((16,), dtype=jnp.float32)
    W2 = jax.random.normal(ks[4], (16, 1), dtype=jnp.float32) * 0.05
    b2 = jnp.zeros((1,), dtype=jnp.float32)
    # PredictLayer: Linear(D,8) -> ReLU -> Linear(8,1)
    P1 = jax.random.normal(ks[5], (D, 8), dtype=jnp.float32) * 0.05
    pb1 = jnp.zeros((8,), dtype=jnp.float32)
    P2 = jax.random.normal(ks[6], (8, 1), dtype=jnp.float32) * 0.05
    pb2 = jnp.zeros((1,), dtype=jnp.float32)
    # group_member_dict as dense [NG, GS] int table (same construction as init_kwargs g_m_d)
    members = (jnp.arange(NG, dtype=jnp.int32)[:, None] + NG * jnp.arange(GS, dtype=jnp.int32)[None, :])
    group_inputs = jax.random.randint(ks[7], (B,), 0, NG, dtype=jnp.int32)
    item_inputs = jax.random.randint(ks[8], (B,), 0, NUM_ITEMS, dtype=jnp.int32)
    return {
        "group_inputs": group_inputs,
        "item_inputs": item_inputs,
        "members": members,
        "user_table": user_table,
        "item_table": item_table,
        "group_table": group_table,
        "W1": W1, "b1": b1, "W2": W2, "b2": b2,
        "P1": P1, "pb1": pb1, "P2": P2, "pb2": pb2,
    }


def reference(group_inputs, item_inputs, members, user_table, item_table, group_table,
              W1, b1, W2, b2, P1, pb1, P2, pb2):
    # STMP_CRL.grp_forward, vectorized over the batch of groups.
    mem = jnp.take(members, group_inputs, axis=0)            # [B, GS]
    user_embeds = jnp.take(user_table, mem, axis=0)          # [B, GS, D] (gather)
    item_embeds_group = jnp.take(item_table, item_inputs, axis=0)  # [B, D]
    item_rep = jnp.broadcast_to(item_embeds_group[:, None, :], user_embeds.shape)
    group_item = jnp.concatenate([user_embeds, item_rep], axis=-1)  # [B, GS, 2D]
    # AttentionLayer
    h = jax.nn.relu(group_item @ W1 + b1)                    # [B, GS, 16]
    scores = (h @ W2 + b2)[..., 0]                           # [B, GS]
    at_wt = jax.nn.softmax(scores, axis=-1)                  # softmax over members per group
    g_att = jnp.einsum('bg,bgd->bd', at_wt, user_embeds)     # [B, D]
    g_embeds = g_att + jnp.take(group_table, group_inputs, axis=0)  # [B, D]
    # PredictLayer on elementwise product
    x = g_embeds * item_embeds_group
    p = jax.nn.relu(x @ P1 + pb1) @ P2 + pb2                 # [B, 1]
    return jax.nn.sigmoid(p)

if __name__ == "__main__":
    import jax
    _d = setup_inputs()
    print(jax.jit(kernel)(*tuple(_d.values())))

</pallas_src>

<mosaic_0001>
#map = affine_map<(d0, d1) -> (0, 0)>
#map1 = affine_map<(d0, d1) -> (0)>
#map2 = affine_map<(d0, d1) -> (0, 0, 0)>
module attributes {stable_mosaic.version = 14 : i64} {
  func.func @k(%arg0: i32, %arg1: i32, %arg2: memref<64x8xi32, #tpu.memory_space<hbm>>, %arg3: memref<1024xi32, #tpu.memory_space<hbm>>, %arg4: memref<100000x128xf32, #tpu.memory_space<hbm>>, %arg5: memref<50000x128xf32, #tpu.memory_space<hbm>>, %arg6: memref<64x8x128xf32, #tpu.memory_space<hbm>>, %arg7: memref<1024x128xf32, #tpu.memory_space<hbm>>, %arg8: memref<2x8xi32, #tpu.memory_space<vmem>>, %arg9: memref<32xi32, #tpu.memory_space<vmem>>, %arg10: memref<2x8x128xf32, #tpu.memory_space<vmem>>, %arg11: memref<32x128xf32, #tpu.memory_space<vmem>>, %arg12: memref<!tpu.dma_semaphore, #tpu.memory_space<semaphore_mem>>, %arg13: memref<!tpu.dma_semaphore, #tpu.memory_space<semaphore_mem>>) attributes {dimension_semantics = [#tpu.dimension_semantics<core_parallel>, #tpu.dimension_semantics<subcore_parallel>], iteration_bounds = array<i64: 2, 16>, scalar_prefetch = 0 : i64, scratch_operands = 6 : i64, tpu.core_type = #tpu.core_type<sc_vector_subcore>, window_params = [{transform_indices = #map}, {transform_indices = #map1}, {transform_indices = #map}, {transform_indices = #map}, {transform_indices = #map2}, {transform_indices = #map}]} {
    %mul3A = arith.constant 2 : i32
    %mul3A_0 = arith.muli %arg1, %mul3A : i32
    %add3A = arith.addi %mul3A_0, %arg0 : i32
    %mul3A_1 = arith.constant 2 : i32
    %mul3A_2 = arith.muli %add3A, %mul3A_1 : i32
    %dma_start3A = arith.constant 0 : i32
    %dma_start3A_3 = tpu.memref_slice %arg2[%mul3A_2, %dma_start3A] : memref<64x8xi32, #tpu.memory_space<hbm>> -> memref<2x8xi32, #tpu.memory_space<hbm>>
    %dma_start3A_4 = arith.constant 0 : i32
    %dma_start3A_5 = tpu.memref_slice %arg2[%mul3A_2, %dma_start3A_4] : memref<64x8xi32, #tpu.memory_space<hbm>> -> memref<2x8xi32, #tpu.memory_space<hbm>>
    tpu.enqueue_dma source(%dma_start3A_5 : memref<2x8xi32, #tpu.memory_space<hbm>>) target(%arg8 : memref<2x8xi32, #tpu.memory_space<vmem>>) target_semaphore(%arg13 : memref<!tpu.dma_semaphore, #tpu.memory_space<semaphore_mem>>)
    %mul3A_6 = arith.constant 32 : i32
    %mul3A_7 = arith.muli %add3A, %mul3A_6 : i32
    %dma_start3A_8 = tpu.memref_slice %arg3[%mul3A_7] : memref<1024xi32, #tpu.memory_space<hbm>> -> memref<32xi32, #tpu.memory_space<hbm>>
    %dma_start3A_9 = tpu.memref_slice %arg3[%mul3A_7] : memref<1024xi32, #tpu.memory_space<hbm>> -> memref<32xi32, #tpu.memory_space<hbm>>
    tpu.enqueue_dma source(%dma_start3A_9 : memref<32xi32, #tpu.memory_space<hbm>>) target(%arg9 : memref<32xi32, #tpu.memory_space<vmem>>) target_semaphore(%arg13 : memref<!tpu.dma_semaphore, #tpu.memory_space<semaphore_mem>>)
    %dma_wait3A = arith.constant 0 : i32
    %dma_wait3A_10 = tpu.memref_slice %arg2[%mul3A_2, %dma_wait3A] : memref<64x8xi32, #tpu.memory_space<hbm>> -> memref<2x8xi32, #tpu.memory_space<hbm>>
    %dma_wait3A_11 = arith.constant 0 : i32
    %dma_wait3A_12 = tpu.memref_slice %arg2[%mul3A_2, %dma_wait3A_11] : memref<64x8xi32, #tpu.memory_space<hbm>> -> memref<2x8xi32, #tpu.memory_space<hbm>>
    tpu.wait_dma2 semaphore(%arg13 : memref<!tpu.dma_semaphore, #tpu.memory_space<semaphore_mem>>) src(%dma_wait3A_12 : memref<2x8xi32, #tpu.memory_space<hbm>>) dst(%arg8 : memref<2x8xi32, #tpu.memory_space<vmem>>)
    %dma_wait3A_13 = tpu.memref_slice %arg3[%mul3A_7] : memref<1024xi32, #tpu.memory_space<hbm>> -> memref<32xi32, #tpu.memory_space<hbm>>
    %dma_wait3A_14 = tpu.memref_slice %arg3[%mul3A_7] : memref<1024xi32, #tpu.memory_space<hbm>> -> memref<32xi32, #tpu.memory_space<hbm>>
    tpu.wait_dma2 semaphore(%arg13 : memref<!tpu.dma_semaphore, #tpu.memory_space<semaphore_mem>>) src(%dma_wait3A_14 : memref<32xi32, #tpu.memory_space<hbm>>) dst(%arg9 : memref<32xi32, #tpu.memory_space<vmem>>)
    %dma_start3A_15 = arith.constant 0 : i32
    %dma_start3A_16 = arith.constant 0 : i32
    %dma_start3A_17 = arith.constant 0 : i32
    %dma_start3A_18 = arith.constant 0 : i32
    %dma_start3A_19 = tpu.memref_slice %arg10[%dma_start3A_16, %dma_start3A_17, %dma_start3A_18] : memref<2x8x128xf32, #tpu.memory_space<vmem>> -> memref<1x8x128xf32, #tpu.memory_space<vmem>>
    %dma_start3A_20 = tpu.memref_squeeze %dma_start3A_19 : memref<1x8x128xf32, #tpu.memory_space<vmem>> -> memref<8x128xf32, #tpu.memory_space<vmem>>
    %dma_start3A_21 = arith.constant 0 : i32
    %dma_start3A_22 = tpu.memref_slice %arg8[%dma_start3A_15, %dma_start3A_21] : memref<2x8xi32, #tpu.memory_space<vmem>> -> memref<1x8xi32, #tpu.memory_space<vmem>>
    %dma_start3A_23 = tpu.memref_squeeze %dma_start3A_22 : memref<1x8xi32, #tpu.memory_space<vmem>> -> memref<8xi32, #tpu.memory_space<vmem>>
    %dma_start3A_24 = arith.constant 0 : i32
    %dma_start3A_25 = arith.constant 0 : i32
    %dma_start3A_26 = tpu.memref_slice %arg4[%dma_start3A_24, %dma_start3A_25] : memref<100000x128xf32, #tpu.memory_space<hbm>> -> memref<100000x128xf32, #tpu.memory_space<hbm>>
    tpu.enqueue_indirect_dma source(%dma_start3A_26 : memref<100000x128xf32, #tpu.memory_space<hbm>>) target(%dma_start3A_20 : memref<8x128xf32, #tpu.memory_space<vmem>>) offsets(%dma_start3A_23 : memref<8xi32, #tpu.memory_space<vmem>>) semaphore(%arg12 : memref<!tpu.dma_semaphore, #tpu.memory_space<semaphore_mem>>)
    %dma_start3A_27 = arith.constant 1 : i32
    %dma_start3A_28 = arith.constant 1 : i32
    %dma_start3A_29 = arith.constant 0 : i32
    %dma_start3A_30 = arith.constant 0 : i32
    %dma_start3A_31 = tpu.memref_slice %arg10[%dma_start3A_28, %dma_start3A_29, %dma_start3A_30] : memref<2x8x128xf32, #tpu.memory_space<vmem>> -> memref<1x8x128xf32, #tpu.memory_space<vmem>>
    %dma_start3A_32 = tpu.memref_squeeze %dma_start3A_31 : memref<1x8x128xf32, #tpu.memory_space<vmem>> -> memref<8x128xf32, #tpu.memory_space<vmem>>
    %dma_start3A_33 = arith.constant 0 : i32
    %dma_start3A_34 = tpu.memref_slice %arg8[%dma_start3A_27, %dma_start3A_33] : memref<2x8xi32, #tpu.memory_space<vmem>> -> memref<1x8xi32, #tpu.memory_space<vmem>>
    %dma_start3A_35 = tpu.memref_squeeze %dma_start3A_34 : memref<1x8xi32, #tpu.memory_space<vmem>> -> memref<8xi32, #tpu.memory_space<vmem>>
    %dma_start3A_36 = arith.constant 0 : i32
    %dma_start3A_37 = arith.constant 0 : i32
    %dma_start3A_38 = tpu.memref_slice %arg4[%dma_start3A_36, %dma_start3A_37] : memref<100000x128xf32, #tpu.memory_space<hbm>> -> memref<100000x128xf32, #tpu.memory_space<hbm>>
    tpu.enqueue_indirect_dma source(%dma_start3A_38 : memref<100000x128xf32, #tpu.memory_space<hbm>>) target(%dma_start3A_32 : memref<8x128xf32, #tpu.memory_space<vmem>>) offsets(%dma_start3A_35 : memref<8xi32, #tpu.memory_space<vmem>>) semaphore(%arg12 : memref<!tpu.dma_semaphore, #tpu.memory_space<semaphore_mem>>)
    %dma_start3A_39 = arith.constant 0 : i32
    %dma_start3A_40 = arith.constant 0 : i32
    %dma_start3A_41 = tpu.memref_slice %arg5[%dma_start3A_39, %dma_start3A_40] : memref<50000x128xf32, #tpu.memory_space<hbm>> -> memref<50000x128xf32, #tpu.memory_space<hbm>>
    tpu.enqueue_indirect_dma source(%dma_start3A_41 : memref<50000x128xf32, #tpu.memory_space<hbm>>) target(%arg11 : memref<32x128xf32, #tpu.memory_space<vmem>>) offsets(%arg9 : memref<32xi32, #tpu.memory_space<vmem>>) semaphore(%arg12 : memref<!tpu.dma_semaphore, #tpu.memory_space<semaphore_mem>>)
    %dma_wait3A_42 = arith.constant 0 : i32
    %dma_wait3A_43 = arith.constant 0 : i32
    %dma_wait3A_44 = arith.constant 0 : i32
    %dma_wait3A_45 = arith.constant 0 : i32
    %dma_wait3A_46 = tpu.memref_slice %arg10[%dma_wait3A_43, %dma_wait3A_44, %dma_wait3A_45] : memref<2x8x128xf32, #tpu.memory_space<vmem>> -> memref<1x8x128xf32, #tpu.memory_space<vmem>>
    %dma_wait3A_47 = tpu.memref_squeeze %dma_wait3A_46 : memref<1x8x128xf32, #tpu.memory_space<vmem>> -> memref<8x128xf32, #tpu.memory_space<vmem>>
    %dma_wait3A_48 = arith.constant 0 : i32
    %dma_wait3A_49 = tpu.memref_slice %arg8[%dma_wait3A_42, %dma_wait3A_48] : memref<2x8xi32, #tpu.memory_space<vmem>> -> memref<1x8xi32, #tpu.memory_space<vmem>>
    %dma_wait3A_50 = tpu.memref_squeeze %dma_wait3A_49 : memref<1x8xi32, #tpu.memory_space<vmem>> -> memref<8xi32, #tpu.memory_space<vmem>>
    %dma_wait3A_51 = arith.constant 0 : i32
    %dma_wait3A_52 = arith.constant 0 : i32
    %dma_wait3A_53 = tpu.memref_slice %arg4[%dma_wait3A_51, %dma_wait3A_52] : memref<100000x128xf32, #tpu.memory_space<hbm>> -> memref<100000x128xf32, #tpu.memory_space<hbm>>
    tpu.wait_indirect_dma semaphore(%arg12 : memref<!tpu.dma_semaphore, #tpu.memory_space<semaphore_mem>>) src(%dma_wait3A_53 : memref<100000x128xf32, #tpu.memory_space<hbm>>) dst(%dma_wait3A_47 : memref<8x128xf32, #tpu.memory_space<vmem>>)
    %dma_wait3A_54 = arith.constant 1 : i32
    %dma_wait3A_55 = arith.constant 1 : i32
    %dma_wait3A_56 = arith.constant 0 : i32
    %dma_wait3A_57 = arith.constant 0 : i32
    %dma_wait3A_58 = tpu.memref_slice %arg10[%dma_wait3A_55, %dma_wait3A_56, %dma_wait3A_57] : memref<2x8x128xf32, #tpu.memory_space<vmem>> -> memref<1x8x128xf32, #tpu.memory_space<vmem>>
    %dma_wait3A_59 = tpu.memref_squeeze %dma_wait3A_58 : memref<1x8x128xf32, #tpu.memory_space<vmem>> -> memref<8x128xf32, #tpu.memory_space<vmem>>
    %dma_wait3A_60 = arith.constant 0 : i32
    %dma_wait3A_61 = tpu.memref_slice %arg8[%dma_wait3A_54, %dma_wait3A_60] : memref<2x8xi32, #tpu.memory_space<vmem>> -> memref<1x8xi32, #tpu.memory_space<vmem>>
    %dma_wait3A_62 = tpu.memref_squeeze %dma_wait3A_61 : memref<1x8xi32, #tpu.memory_space<vmem>> -> memref<8xi32, #tpu.memory_space<vmem>>
    %dma_wait3A_63 = arith.constant 0 : i32
    %dma_wait3A_64 = arith.constant 0 : i32
    %dma_wait3A_65 = tpu.memref_slice %arg4[%dma_wait3A_63, %dma_wait3A_64] : memref<100000x128xf32, #tpu.memory_space<hbm>> -> memref<100000x128xf32, #tpu.memory_space<hbm>>
    tpu.wait_indirect_dma semaphore(%arg12 : memref<!tpu.dma_semaphore, #tpu.memory_space<semaphore_mem>>) src(%dma_wait3A_65 : memref<100000x128xf32, #tpu.memory_space<hbm>>) dst(%dma_wait3A_59 : memref<8x128xf32, #tpu.memory_space<vmem>>)
    %dma_wait3A_66 = arith.constant 0 : i32
    %dma_wait3A_67 = arith.constant 0 : i32
    %dma_wait3A_68 = tpu.memref_slice %arg5[%dma_wait3A_66, %dma_wait3A_67] : memref<50000x128xf32, #tpu.memory_space<hbm>> -> memref<50000x128xf32, #tpu.memory_space<hbm>>
    tpu.wait_indirect_dma semaphore(%arg12 : memref<!tpu.dma_semaphore, #tpu.memory_space<semaphore_mem>>) src(%dma_wait3A_68 : memref<50000x128xf32, #tpu.memory_space<hbm>>) dst(%arg11 : memref<32x128xf32, #tpu.memory_space<vmem>>)
    %mul3A_69 = arith.constant 2 : i32
    %mul3A_70 = arith.muli %add3A, %mul3A_69 : i32
    %dma_start3A_71 = arith.constant 0 : i32
    %dma_start3A_72 = arith.constant 0 : i32
    %dma_start3A_73 = tpu.memref_slice %arg6[%mul3A_70, %dma_start3A_71, %dma_start3A_72] : memref<64x8x128xf32, #tpu.memory_space<hbm>> -> memref<2x8x128xf32, #tpu.memory_space<hbm>>
    %dma_start3A_74 = arith.constant 0 : i32
    %dma_start3A_75 = arith.constant 0 : i32
    %dma_start3A_76 = tpu.memref_slice %arg6[%mul3A_70, %dma_start3A_74, %dma_start3A_75] : memref<64x8x128xf32, #tpu.memory_space<hbm>> -> memref<2x8x128xf32, #tpu.memory_space<hbm>>
    tpu.enqueue_dma source(%arg10 : memref<2x8x128xf32, #tpu.memory_space<vmem>>) target(%dma_start3A_76 : memref<2x8x128xf32, #tpu.memory_space<hbm>>) target_semaphore(%arg13 : memref<!tpu.dma_semaphore, #tpu.memory_space<semaphore_mem>>)
    %mul3A_77 = arith.constant 32 : i32
    %mul3A_78 = arith.muli %add3A, %mul3A_77 : i32
    %dma_start3A_79 = arith.constant 0 : i32
    %dma_start3A_80 = tpu.memref_slice %arg7[%mul3A_78, %dma_start3A_79] : memref<1024x128xf32, #tpu.memory_space<hbm>> -> memref<32x128xf32, #tpu.memory_space<hbm>>
    %dma_start3A_81 = arith.constant 0 : i32
    %dma_start3A_82 = tpu.memref_slice %arg7[%mul3A_78, %dma_start3A_81] : memref<1024x128xf32, #tpu.memory_space<hbm>> -> memref<32x128xf32, #tpu.memory_space<hbm>>
    tpu.enqueue_dma source(%arg11 : memref<32x128xf32, #tpu.memory_space<vmem>>) target(%dma_start3A_82 : memref<32x128xf32, #tpu.memory_space<hbm>>) target_semaphore(%arg13 : memref<!tpu.dma_semaphore, #tpu.memory_space<semaphore_mem>>)
    %dma_wait3A_83 = arith.constant 0 : i32
    %dma_wait3A_84 = arith.constant 0 : i32
    %dma_wait3A_85 = tpu.memref_slice %arg6[%mul3A_70, %dma_wait3A_83, %dma_wait3A_84] : memref<64x8x128xf32, #tpu.memory_space<hbm>> -> memref<2x8x128xf32, #tpu.memory_space<hbm>>
    %dma_wait3A_86 = arith.constant 0 : i32
    %dma_wait3A_87 = arith.constant 0 : i32
    %dma_wait3A_88 = tpu.memref_slice %arg6[%mul3A_70, %dma_wait3A_86, %dma_wait3A_87] : memref<64x8x128xf32, #tpu.memory_space<hbm>> -> memref<2x8x128xf32, #tpu.memory_space<hbm>>
    tpu.wait_dma2 semaphore(%arg13 : memref<!tpu.dma_semaphore, #tpu.memory_space<semaphore_mem>>) src(%arg10 : memref<2x8x128xf32, #tpu.memory_space<vmem>>) dst(%dma_wait3A_88 : memref<2x8x128xf32, #tpu.memory_space<hbm>>)
    %dma_wait3A_89 = arith.constant 0 : i32
    %dma_wait3A_90 = tpu.memref_slice %arg7[%mul3A_78, %dma_wait3A_89] : memref<1024x128xf32, #tpu.memory_space<hbm>> -> memref<32x128xf32, #tpu.memory_space<hbm>>
    %dma_wait3A_91 = arith.constant 0 : i32
    %dma_wait3A_92 = tpu.memref_slice %arg7[%mul3A_78, %dma_wait3A_91] : memref<1024x128xf32, #tpu.memory_space<hbm>> -> memref<32x128xf32, #tpu.memory_space<hbm>>
    tpu.wait_dma2 semaphore(%arg13 : memref<!tpu.dma_semaphore, #tpu.memory_space<semaphore_mem>>) src(%arg11 : memref<32x128xf32, #tpu.memory_space<vmem>>) dst(%dma_wait3A_92 : memref<32x128xf32, #tpu.memory_space<hbm>>)
    return
  }
}

module attributes {stable_mosaic.version = 14 : i64} {
  func.func @_tc_body(%arg0: i32, %arg1: memref<1024xi32, #tpu.memory_space<vmem>>, %arg2: memref<1024x128xf32, #tpu.memory_space<vmem>>, %arg3: memref<64x8x128xf32, #tpu.memory_space<vmem>>, %arg4: memref<64x128xf32, #tpu.memory_space<vmem>>, %arg5: memref<128x16xf32, #tpu.memory_space<vmem>>, %arg6: memref<128x16xf32, #tpu.memory_space<vmem>>, %arg7: memref<1x16xf32, #tpu.memory_space<vmem>>, %arg8: memref<1x16xf32, #tpu.memory_space<vmem>>, %arg9: memref<1x1xf32, #tpu.memory_space<vmem>>, %arg10: memref<128x8xf32, #tpu.memory_space<vmem>>, %arg11: memref<1x8xf32, #tpu.memory_space<vmem>>, %arg12: memref<1x8xf32, #tpu.memory_space<vmem>>, %arg13: memref<1x1xf32, #tpu.memory_space<vmem>>, %arg14: memref<1024xf32, #tpu.memory_space<vmem>>) attributes {dimension_semantics = [#tpu.dimension_semantics<arbitrary>], iteration_bounds = array<i64: 1>, scalar_prefetch = 0 : i64, scratch_operands = 0 : i64, tpu.core_type = #tpu.core_type<tc>, window_params = [{pipeline_mode = #tpu.pipeline_mode<synchronous>, transform_indices = @transform_0, window_bounds = array<i64: 1024>}, {pipeline_mode = #tpu.pipeline_mode<synchronous>, transform_indices = @transform_1, window_bounds = array<i64: 1024, 128>}, {pipeline_mode = #tpu.pipeline_mode<synchronous>, transform_indices = @transform_2, window_bounds = array<i64: 64, 8, 128>}, {transform_indices = @transform_3, window_bounds = array<i64: 64, 128>}, {transform_indices = @transform_4, window_bounds = array<i64: 128, 16>}, {transform_indices = @transform_5, window_bounds = array<i64: 128, 16>}, {pipeline_mode = #tpu.pipeline_mode<synchronous>, transform_indices = @transform_6, window_bounds = array<i64: 1, 16>}, {pipeline_mode = #tpu.pipeline_mode<synchronous>, transform_indices = @transform_7, window_bounds = array<i64: 1, 16>}, {pipeline_mode = #tpu.pipeline_mode<synchronous>, transform_indices = @transform_8, window_bounds = array<i64: 1, 1>}, {pipeline_mode = #tpu.pipeline_mode<synchronous>, transform_indices = @transform_9, window_bounds = array<i64: 128, 8>}, {pipeline_mode = #tpu.pipeline_mode<synchronous>, transform_indices = @transform_10, window_bounds = array<i64: 1, 8>}, {pipeline_mode = #tpu.pipeline_mode<synchronous>, transform_indices = @transform_11, window_bounds = array<i64: 1, 8>}, {pipeline_mode = #tpu.pipeline_mode<synchronous>, transform_indices = @transform_12, window_bounds = array<i64: 1, 1>}, {pipeline_mode = #tpu.pipeline_mode<synchronous>, transform_indices = @transform_13, window_bounds = array<i64: 1024>}]} {
    %get3A = arith.constant 0 : index
    %get3A_0 = vector.load %arg1[%get3A] : memref<1024xi32, #tpu.memory_space<vmem>>, vector<1024xi32>
    %reshape3A = vector.shape_cast %get3A_0 : vector<1024xi32> to vector<1024x1xi32>
    %get3A_1 = arith.constant 0 : index
    %get3A_2 = arith.constant 0 : index
    %get3A_3 = vector.load %arg2[%get3A_1, %get3A_2] : memref<1024x128xf32, #tpu.memory_space<vmem>>, vector<1024x128xf32>
    %iota3A = tpu.iota {dimensions = array<i32: 1>} : vector<1024x64xi32>
    %eq3A = vector.broadcast %reshape3A : vector<1024x1xi32> to vector<1024x64xi32>
    %eq3A_4 = arith.cmpi eq, %eq3A, %iota3A : vector<1024x64xi32>
    %convert_element_type3A = arith.extui %eq3A_4 : vector<1024x64xi1> to vector<1024x64xi32>
    %convert_element_type3A_5 = arith.sitofp %convert_element_type3A : vector<1024x64xi32> to vector<1024x64xf32>
    %convert_element_type3A_6 = arith.truncf %convert_element_type3A_5 : vector<1024x64xf32> to vector<1024x64xbf16>
    %get3A_7 = arith.constant 0 : index
    %get3A_8 = arith.constant 0 : index
    %get3A_9 = vector.load %arg6[%get3A_7, %get3A_8] : memref<128x16xf32, #tpu.memory_space<vmem>>, vector<128x16xf32>
    %dot_general3A = arith.constant dense<0.000000e+00> : vector<1024x16xf32>
    %dot_general3A_10 = tpu.matmul %get3A_3, %get3A_9, %dot_general3A {dimension_numbers = #tpu.dot_dimension_numbers<[1], [0], [0], [1], [0, 0, 1, 1], [], []>, transpose_lhs_hint = false} : vector<1024x128xf32>, vector<128x16xf32>, vector<1024x16xf32> -> vector<1024x16xf32>
    %get3A_11 = arith.constant 0 : index
    %get3A_12 = arith.constant 0 : index
    %get3A_13 = vector.load %arg5[%get3A_11, %get3A_12] : memref<128x16xf32, #tpu.memory_space<vmem>>, vector<128x16xf32>
    %get3A_14 = arith.constant 0 : index
    %get3A_15 = arith.constant 0 : index
    %get3A_16 = arith.constant 0 : index
    %get3A_17 = vector.load %arg3[%get3A_14, %get3A_15, %get3A_16] : memref<64x8x128xf32, #tpu.memory_space<vmem>>, vector<64x1x128xf32>
    %get3A_18 = vector.shape_cast %get3A_17 : vector<64x1x128xf32> to vector<64x128xf32>
    %dot_general3A_19 = arith.constant dense<0.000000e+00> : vector<64x16xf32>
    %dot_general3A_20 = tpu.matmul %get3A_18, %get3A_13, %dot_general3A_19 {dimension_numbers = #tpu.dot_dimension_numbers<[1], [0], [0], [1], [0, 0, 1, 1], [], []>, transpose_lhs_hint = false} : vector<64x128xf32>, vector<128x16xf32>, vector<64x16xf32> -> vector<64x16xf32>
    %get3A_21 = arith.constant 0 : index
    %get3A_22 = arith.constant 1 : index
    %get3A_23 = arith.constant 0 : index
    %get3A_24 = vector.load %arg3[%get3A_21, %get3A_22, %get3A_23] : memref<64x8x128xf32, #tpu.memory_space<vmem>>, vector<64x1x128xf32>
    %get3A_25 = vector.shape_cast %get3A_24 : vector<64x1x128xf32> to vector<64x128xf32>
    %dot_general3A_26 = arith.constant dense<0.000000e+00> : vector<64x16xf32>
    %dot_general3A_27 = tpu.matmul %get3A_25, %get3A_13, %dot_general3A_26 {dimension_numbers = #tpu.dot_dimension_numbers<[1], [0], [0], [1], [0, 0, 1, 1], [], []>, transpose_lhs_hint = false} : vector<64x128xf32>, vector<128x16xf32>, vector<64x16xf32> -> vector<64x16xf32>
    %get3A_28 = arith.constant 0 : index
    %get3A_29 = arith.constant 2 : index
    %get3A_30 = arith.constant 0 : index
    %get3A_31 = vector.load %arg3[%get3A_28, %get3A_29, %get3A_30] : memref<64x8x128xf32, #tpu.memory_space<vmem>>, vector<64x1x128xf32>
    %get3A_32 = vector.shape_cast %get3A_31 : vector<64x1x128xf32> to vector<64x128xf32>
    %dot_general3A_33 = arith.constant dense<0.000000e+00> : vector<64x16xf32>
    %dot_general3A_34 = tpu.matmul %get3A_32, %get3A_13, %dot_general3A_33 {dimension_numbers = #tpu.dot_dimension_numbers<[1], [0], [0], [1], [0, 0, 1, 1], [], []>, transpose_lhs_hint = false} : vector<64x128xf32>, vector<128x16xf32>, vector<64x16xf32> -> vector<64x16xf32>
    %get3A_35 = arith.constant 0 : index
    %get3A_36 = arith.constant 3 : index
    %get3A_37 = arith.constant 0 : index
    %get3A_38 = vector.load %arg3[%get3A_35, %get3A_36, %get3A_37] : memref<64x8x128xf32, #tpu.memory_space<vmem>>, vector<64x1x128xf32>
    %get3A_39 = vector.shape_cast %get3A_38 : vector<64x1x128xf32> to vector<64x128xf32>
    %dot_general3A_40 = arith.constant dense<0.000000e+00> : vector<64x16xf32>
    %dot_general3A_41 = tpu.matmul %get3A_39, %get3A_13, %dot_general3A_40 {dimension_numbers = #tpu.dot_dimension_numbers<[1], [0], [0], [1], [0, 0, 1, 1], [], []>, transpose_lhs_hint = false} : vector<64x128xf32>, vector<128x16xf32>, vector<64x16xf32> -> vector<64x16xf32>
    %get3A_42 = arith.constant 0 : index
    %get3A_43 = arith.constant 4 : index
    %get3A_44 = arith.constant 0 : index
    %get3A_45 = vector.load %arg3[%get3A_42, %get3A_43, %get3A_44] : memref<64x8x128xf32, #tpu.memory_space<vmem>>, vector<64x1x128xf32>
    %get3A_46 = vector.shape_cast %get3A_45 : vector<64x1x128xf32> to vector<64x128xf32>
    %dot_general3A_47 = arith.constant dense<0.000000e+00> : vector<64x16xf32>
    %dot_general3A_48 = tpu.matmul %get3A_46, %get3A_13, %dot_general3A_47 {dimension_numbers = #tpu.dot_dimension_numbers<[1], [0], [0], [1], [0, 0, 1, 1], [], []>, transpose_lhs_hint = false} : vector<64x128xf32>, vector<128x16xf32>, vector<64x16xf32> -> vector<64x16xf32>
    %get3A_49 = arith.constant 0 : index
    %get3A_50 = arith.constant 5 : index
    %get3A_51 = arith.constant 0 : index
    %get3A_52 = vector.load %arg3[%get3A_49, %get3A_50, %get3A_51] : memref<64x8x128xf32, #tpu.memory_space<vmem>>, vector<64x1x128xf32>
    %get3A_53 = vector.shape_cast %get3A_52 : vector<64x1x128xf32> to vector<64x128xf32>
    %dot_general3A_54 = arith.constant dense<0.000000e+00> : vector<64x16xf32>
    %dot_general3A_55 = tpu.matmul %get3A_53, %get3A_13, %dot_general3A_54 {dimension_numbers = #tpu.dot_dimension_numbers<[1], [0], [0], [1], [0, 0, 1, 1], [], []>, transpose_lhs_hint = false} : vector<64x128xf32>, vector<128x16xf32>, vector<64x16xf32> -> vector<64x16xf32>
    %get3A_56 = arith.constant 0 : index
    %get3A_57 = arith.constant 6 : index
    %get3A_58 = arith.constant 0 : index
    %get3A_59 = vector.load %arg3[%get3A_56, %get3A_57, %get3A_58] : memref<64x8x128xf32, #tpu.memory_space<vmem>>, vector<64x1x128xf32>
    %get3A_60 = vector.shape_cast %get3A_59 : vector<64x1x128xf32> to vector<64x128xf32>
    %dot_general3A_61 = arith.constant dense<0.000000e+00> : vector<64x16xf32>
    %dot_general3A_62 = tpu.matmul %get3A_60, %get3A_13, %dot_general3A_61 {dimension_numbers = #tpu.dot_dimension_numbers<[1], [0], [0], [1], [0, 0, 1, 1], [], []>, transpose_lhs_hint = false} : vector<64x128xf32>, vector<128x16xf32>, vector<64x16xf32> -> vector<64x16xf32>
    %get3A_63 = arith.constant 0 : index
    %get3A_64 = arith.constant 7 : index
    %get3A_65 = arith.constant 0 : index
    %get3A_66 = vector.load %arg3[%get3A_63, %get3A_64, %get3A_65] : memref<64x8x128xf32, #tpu.memory_space<vmem>>, vector<64x1x128xf32>
    %get3A_67 = vector.shape_cast %get3A_66 : vector<64x1x128xf32> to vector<64x128xf32>
    %dot_general3A_68 = arith.constant dense<0.000000e+00> : vector<64x16xf32>
    %dot_general3A_69 = tpu.matmul %get3A_67, %get3A_13, %dot_general3A_68 {dimension_numbers = #tpu.dot_dimension_numbers<[1], [0], [0], [1], [0, 0, 1, 1], [], []>, transpose_lhs_hint = false} : vector<64x128xf32>, vector<128x16xf32>, vector<64x16xf32> -> vector<64x16xf32>
    %concatenate3A = tpu.concatenate %dot_general3A_20, %dot_general3A_27, %dot_general3A_34, %dot_general3A_41, %dot_general3A_48, %dot_general3A_55, %dot_general3A_62, %dot_general3A_69 in 1 : vector<64x16xf32>, vector<64x16xf32>, vector<64x16xf32>, vector<64x16xf32>, vector<64x16xf32>, vector<64x16xf32>, vector<64x16xf32>, vector<64x16xf32> -> vector<64x128xf32>
    %iota3A_70 = tpu.iota {dimensions = array<i32: 0>} : vector<16x128xi32>
    %iota3A_71 = tpu.iota {dimensions = array<i32: 1>} : vector<16x128xi32>
    %jit3A = arith.constant 16 : i32
    %eq3A_72 = arith.constant 0 : i32
    %eq3A_73 = arith.cmpi eq, %jit3A, %eq3A_72 : i32
    %jit3A_74 = arith.constant 1 : i32
    %select_n3A = arith.select %eq3A_73, %jit3A_74, %jit3A : i32
    %rem3A = vector.broadcast %select_n3A : i32 to vector<16x128xi32>
    %rem3A_75 = arith.remsi %iota3A_71, %rem3A : vector<16x128xi32>
    %ne3A = arith.constant 0 : i32
    %ne3A_76 = vector.broadcast %ne3A : i32 to vector<16x128xi32>
    %ne3A_77 = arith.cmpi ne, %rem3A_75, %ne3A_76 : vector<16x128xi32>
    %lt3A = arith.constant 0 : i32
    %lt3A_78 = vector.broadcast %lt3A : i32 to vector<16x128xi32>
    %lt3A_79 = arith.cmpi slt, %rem3A_75, %lt3A_78 : vector<16x128xi32>
    %lt3A_80 = arith.constant 0 : i32
    %lt3A_81 = arith.cmpi slt, %select_n3A, %lt3A_80 : i32
    %ne3A_82 = vector.broadcast %lt3A_81 : i1 to vector<16x128xi1>
    %ne3A_83 = vector.broadcast %ne3A_82 : vector<16x128xi1> to vector<16x128xi1>
    %ne3A_84 = arith.xori %lt3A_79, %ne3A_83 : vector<16x128xi1>
    %and3A = arith.andi %ne3A_84, %ne3A_77 : vector<16x128xi1>
    %add3A = vector.broadcast %select_n3A : i32 to vector<16x128xi32>
    %add3A_85 = arith.addi %rem3A_75, %add3A : vector<16x128xi32>
    %select_n3A_86 = arith.select %and3A, %add3A_85, %rem3A_75 : vector<16x128xi1>, vector<16x128xi32>
    %eq3A_87 = arith.cmpi eq, %iota3A_70, %select_n3A_86 : vector<16x128xi32>
    %convert_element_type3A_88 = arith.extui %eq3A_87 : vector<16x128xi1> to vector<16x128xi32>
    %convert_element_type3A_89 = arith.sitofp %convert_element_type3A_88 : vector<16x128xi32> to vector<16x128xf32>
    %concatenate3A_90 = tpu.concatenate %convert_element_type3A_5, %dot_general3A_10 in 1 : vector<1024x64xf32>, vector<1024x16xf32> -> vector<1024x80xf32>
    %concatenate3A_91 = tpu.concatenate %concatenate3A, %convert_element_type3A_89 in 0 : vector<64x128xf32>, vector<16x128xf32> -> vector<80x128xf32>
    %dot_general3A_92 = arith.constant dense<0.000000e+00> : vector<1024x128xf32>
    %dot_general3A_93 = tpu.matmul %concatenate3A_90, %concatenate3A_91, %dot_general3A_92 {dimension_numbers = #tpu.dot_dimension_numbers<[1], [0], [0], [1], [0, 0, 1, 1], [], []>, transpose_lhs_hint = false} : vector<1024x80xf32>, vector<80x128xf32>, vector<1024x128xf32> -> vector<1024x128xf32>
    %get3A_94 = arith.constant 0 : index
    %get3A_95 = arith.constant 0 : index
    %get3A_96 = vector.load %arg7[%get3A_94, %get3A_95] : memref<1x16xf32, #tpu.memory_space<vmem>>, vector<1x16xf32>
    %concatenate3A_97 = tpu.concatenate %get3A_96, %get3A_96, %get3A_96, %get3A_96, %get3A_96, %get3A_96, %get3A_96, %get3A_96 in 1 : vector<1x16xf32>, vector<1x16xf32>, vector<1x16xf32>, vector<1x16xf32>, vector<1x16xf32>, vector<1x16xf32>, vector<1x16xf32>, vector<1x16xf32> -> vector<1x128xf32>
    %add3A_98 = vector.broadcast %concatenate3A_97 : vector<1x128xf32> to vector<1024x128xf32>
    %add3A_99 = arith.addf %dot_general3A_93, %add3A_98 : vector<1024x128xf32>
    %max3A = arith.constant 0.000000e+00 : f32
    %max3A_100 = vector.broadcast %max3A : f32 to vector<1024x128xf32>
    %max3A_101 = arith.maximumf %add3A_99, %max3A_100 : vector<1024x128xf32>
    %iota3A_102 = tpu.iota {dimensions = array<i32: 0>} : vector<128x8xi32>
    %jit3A_103 = arith.constant 16 : i32
    %div3A = vector.broadcast %jit3A_103 : i32 to vector<128x8xi32>
    %div3A_104 = arith.divsi %iota3A_102, %div3A : vector<128x8xi32>
    %sign3A = arith.constant 0 : i32
    %sign3A_105 = vector.broadcast %sign3A : i32 to vector<128x8xi32>
    %sign3A_106 = arith.cmpi sgt, %iota3A_102, %sign3A_105 : vector<128x8xi32>
    %sign3A_107 = arith.extui %sign3A_106 : vector<128x8xi1> to vector<128x8xi32>
    %sign3A_108 = arith.constant 0 : i32
    %sign3A_109 = vector.broadcast %sign3A_108 : i32 to vector<128x8xi32>
    %sign3A_110 = arith.cmpi slt, %iota3A_102, %sign3A_109 : vector<128x8xi32>
    %sign3A_111 = arith.extui %sign3A_110 : vector<128x8xi1> to vector<128x8xi32>
    %sign3A_112 = arith.subi %sign3A_107, %sign3A_111 : vector<128x8xi32>
    %sign3A_113 = arith.constant 0 : i32
    %sign3A_114 = arith.cmpi sgt, %jit3A_103, %sign3A_113 : i32
    %sign3A_115 = arith.extui %sign3A_114 : i1 to i32
    %sign3A_116 = arith.constant 0 : i32
    %sign3A_117 = arith.cmpi slt, %jit3A_103, %sign3A_116 : i32
    %sign3A_118 = arith.extui %sign3A_117 : i1 to i32
    %sign3A_119 = arith.subi %sign3A_115, %sign3A_118 : i32
    %ne3A_120 = vector.broadcast %sign3A_119 : i32 to vector<128x8xi32>
    %ne3A_121 = arith.cmpi ne, %sign3A_112, %ne3A_120 : vector<128x8xi32>
    %rem3A_122 = vector.broadcast %jit3A_103 : i32 to vector<128x8xi32>
    %rem3A_123 = arith.remsi %iota3A_102, %rem3A_122 : vector<128x8xi32>
    %ne3A_124 = arith.constant 0 : i32
    %ne3A_125 = vector.broadcast %ne3A_124 : i32 to vector<128x8xi32>
    %ne3A_126 = arith.cmpi ne, %rem3A_123, %ne3A_125 : vector<128x8xi32>
    %and3A_127 = arith.andi %ne3A_121, %ne3A_126 : vector<128x8xi1>
    %sub3A = arith.constant 1 : i32
    %sub3A_128 = vector.broadcast %sub3A : i32 to vector<128x8xi32>
    %sub3A_129 = arith.subi %div3A_104, %sub3A_128 : vector<128x8xi32>
    %select_n3A_130 = arith.select %and3A_127, %sub3A_129, %div3A_104 : vector<128x8xi1>, vector<128x8xi32>
    %iota3A_131 = tpu.iota {dimensions = array<i32: 1>} : vector<128x8xi32>
    %eq3A_132 = arith.cmpi eq, %select_n3A_130, %iota3A_131 : vector<128x8xi32>
    %get3A_133 = arith.constant 0 : index
    %get3A_134 = arith.constant 0 : index
    %get3A_135 = vector.load %arg8[%get3A_133, %get3A_134] : memref<1x16xf32, #tpu.memory_space<vmem>>, vector<1x16xf32>
    %reshape3A_136 = vector.shape_cast %get3A_135 : vector<1x16xf32> to vector<16x1xf32>
    %concatenate3A_137 = tpu.concatenate %reshape3A_136, %reshape3A_136, %reshape3A_136, %reshape3A_136, %reshape3A_136, %reshape3A_136, %reshape3A_136, %reshape3A_136 in 0 : vector<16x1xf32>, vector<16x1xf32>, vector<16x1xf32>, vector<16x1xf32>, vector<16x1xf32>, vector<16x1xf32>, vector<16x1xf32>, vector<16x1xf32> -> vector<128x1xf32>
    %jit3A_138 = arith.constant 0.000000e+00 : f32
    %broadcast_in_dim3A = vector.shape_cast %concatenate3A_137 : vector<128x1xf32> to vector<128x1xf32>
    %broadcast_in_dim3A_139 = vector.broadcast %broadcast_in_dim3A : vector<128x1xf32> to vector<128x8xf32>
    %broadcast_in_dim3A_140 = vector.broadcast %jit3A_138 : f32 to vector<128x8xf32>
    %select_n3A_141 = arith.select %eq3A_132, %broadcast_in_dim3A_139, %broadcast_in_dim3A_140 : vector<128x8xi1>, vector<128x8xf32>
    %dot_general3A_142 = arith.constant dense<0.000000e+00> : vector<1024x8xf32>
    %dot_general3A_143 = tpu.matmul %max3A_101, %select_n3A_141, %dot_general3A_142 {dimension_numbers = #tpu.dot_dimension_numbers<[1], [0], [0], [1], [0, 0, 1, 1], [], []>, transpose_lhs_hint = false} : vector<1024x128xf32>, vector<128x8xf32>, vector<1024x8xf32> -> vector<1024x8xf32>
    %get3A_144 = arith.constant 0 : index
    %get3A_145 = arith.constant 0 : index
    %get3A_146 = vector.load %arg9[%get3A_144, %get3A_145] : memref<1x1xf32, #tpu.memory_space<vmem>>, vector<1x1xf32>
    %get3A_147 = vector.extract %get3A_146[0, 0] : f32 from vector<1x1xf32>
    %add3A_148 = vector.broadcast %get3A_147 : f32 to vector<1024x8xf32>
    %add3A_149 = arith.addf %dot_general3A_143, %add3A_148 : vector<1024x8xf32>
    %reduce_max3A = arith.constant dense<0xFF800000> : vector<1024xf32>
    %reduce_max3A_150 = vector.multi_reduction <maximumf>, %add3A_149, %reduce_max3A [1] : vector<1024x8xf32> to vector<1024xf32>
    %broadcast_in_dim3A_151 = vector.shape_cast %reduce_max3A_150 : vector<1024xf32> to vector<1024x1xf32>
    %sub3A_152 = vector.broadcast %broadcast_in_dim3A_151 : vector<1024x1xf32> to vector<1024x8xf32>
    %sub3A_153 = arith.subf %add3A_149, %sub3A_152 : vector<1024x8xf32>
    %exp3A = math.exp %sub3A_153 : vector<1024x8xf32>
    %reduce_sum3A = arith.constant dense<0.000000e+00> : vector<1024xf32>
    %reduce_sum3A_154 = vector.multi_reduction <add>, %exp3A, %reduce_sum3A [1] : vector<1024x8xf32> to vector<1024xf32>
    %broadcast_in_dim3A_155 = vector.shape_cast %reduce_sum3A_154 : vector<1024xf32> to vector<1024x1xf32>
    %div3A_156 = vector.broadcast %broadcast_in_dim3A_155 : vector<1024x1xf32> to vector<1024x8xf32>
    %div3A_157 = arith.divf %exp3A, %div3A_156 : vector<1024x8xf32>
    %iota3A_158 = tpu.iota {dimensions = array<i32: 1>} : vector<8x1024xi32>
    %jit3A_159 = arith.constant 128 : i32
    %div3A_160 = vector.broadcast %jit3A_159 : i32 to vector<8x1024xi32>
    %div3A_161 = arith.divsi %iota3A_158, %div3A_160 : vector<8x1024xi32>
    %sign3A_162 = arith.constant 0 : i32
    %sign3A_163 = vector.broadcast %sign3A_162 : i32 to vector<8x1024xi32>
    %sign3A_164 = arith.cmpi sgt, %iota3A_158, %sign3A_163 : vector<8x1024xi32>
    %sign3A_165 = arith.extui %sign3A_164 : vector<8x1024xi1> to vector<8x1024xi32>
    %sign3A_166 = arith.constant 0 : i32
    %sign3A_167 = vector.broadcast %sign3A_166 : i32 to vector<8x1024xi32>
    %sign3A_168 = arith.cmpi slt, %iota3A_158, %sign3A_167 : vector<8x1024xi32>
    %sign3A_169 = arith.extui %sign3A_168 : vector<8x1024xi1> to vector<8x1024xi32>
    %sign3A_170 = arith.subi %sign3A_165, %sign3A_169 : vector<8x1024xi32>
    %sign3A_171 = arith.constant 0 : i32
    %sign3A_172 = arith.cmpi sgt, %jit3A_159, %sign3A_171 : i32
    %sign3A_173 = arith.extui %sign3A_172 : i1 to i32
    %sign3A_174 = arith.constant 0 : i32
    %sign3A_175 = arith.cmpi slt, %jit3A_159, %sign3A_174 : i32
    %sign3A_176 = arith.extui %sign3A_175 : i1 to i32
    %sign3A_177 = arith.subi %sign3A_173, %sign3A_176 : i32
    %ne3A_178 = vector.broadcast %sign3A_177 : i32 to vector<8x1024xi32>
    %ne3A_179 = arith.cmpi ne, %sign3A_170, %ne3A_178 : vector<8x1024xi32>
    %rem3A_180 = vector.broadcast %jit3A_159 : i32 to vector<8x1024xi32>
    %rem3A_181 = arith.remsi %iota3A_158, %rem3A_180 : vector<8x1024xi32>
    %ne3A_182 = arith.constant 0 : i32
    %ne3A_183 = vector.broadcast %ne3A_182 : i32 to vector<8x1024xi32>
    %ne3A_184 = arith.cmpi ne, %rem3A_181, %ne3A_183 : vector<8x1024xi32>
    %and3A_185 = arith.andi %ne3A_179, %ne3A_184 : vector<8x1024xi1>
    %sub3A_186 = arith.constant 1 : i32
    %sub3A_187 = vector.broadcast %sub3A_186 : i32 to vector<8x1024xi32>
    %sub3A_188 = arith.subi %div3A_161, %sub3A_187 : vector<8x1024xi32>
    %select_n3A_189 = arith.select %and3A_185, %sub3A_188, %div3A_161 : vector<8x1024xi1>, vector<8x1024xi32>
    %iota3A_190 = tpu.iota {dimensions = array<i32: 0>} : vector<8x1024xi32>
    %eq3A_191 = arith.cmpi eq, %select_n3A_189, %iota3A_190 : vector<8x1024xi32>
    %convert_element_type3A_192 = arith.extui %eq3A_191 : vector<8x1024xi1> to vector<8x1024xi32>
    %convert_element_type3A_193 = arith.sitofp %convert_element_type3A_192 : vector<8x1024xi32> to vector<8x1024xf32>
    %dot_general3A_194 = arith.constant dense<0.000000e+00> : vector<1024x1024xf32>
    %dot_general3A_195 = tpu.matmul %div3A_157, %convert_element_type3A_193, %dot_general3A_194 {dimension_numbers = #tpu.dot_dimension_numbers<[1], [0], [0], [1], [0, 0, 1, 1], [], []>, transpose_lhs_hint = false} : vector<1024x8xf32>, vector<8x1024xf32>, vector<1024x1024xf32> -> vector<1024x1024xf32>
    %get3A_196 = arith.constant 0 : index
    %get3A_197 = arith.constant 0 : index
    %get3A_198 = arith.constant 0 : index
    %get3A_199 = vector.load %arg3[%get3A_196, %get3A_197, %get3A_198] : memref<64x8x128xf32, #tpu.memory_space<vmem>>, vector<64x1x128xf32>
    %get3A_200 = vector.shape_cast %get3A_199 : vector<64x1x128xf32> to vector<64x128xf32>
    %get3A_201 = arith.constant 0 : index
    %get3A_202 = arith.constant 1 : index
    %get3A_203 = arith.constant 0 : index
    %get3A_204 = vector.load %arg3[%get3A_201, %get3A_202, %get3A_203] : memref<64x8x128xf32, #tpu.memory_space<vmem>>, vector<64x1x128xf32>
    %get3A_205 = vector.shape_cast %get3A_204 : vector<64x1x128xf32> to vector<64x128xf32>
    %get3A_206 = arith.constant 0 : index
    %get3A_207 = arith.constant 2 : index
    %get3A_208 = arith.constant 0 : index
    %get3A_209 = vector.load %arg3[%get3A_206, %get3A_207, %get3A_208] : memref<64x8x128xf32, #tpu.memory_space<vmem>>, vector<64x1x128xf32>
    %get3A_210 = vector.shape_cast %get3A_209 : vector<64x1x128xf32> to vector<64x128xf32>
    %get3A_211 = arith.constant 0 : index
    %get3A_212 = arith.constant 3 : index
    %get3A_213 = arith.constant 0 : index
    %get3A_214 = vector.load %arg3[%get3A_211, %get3A_212, %get3A_213] : memref<64x8x128xf32, #tpu.memory_space<vmem>>, vector<64x1x128xf32>
    %get3A_215 = vector.shape_cast %get3A_214 : vector<64x1x128xf32> to vector<64x128xf32>
    %get3A_216 = arith.constant 0 : index
    %get3A_217 = arith.constant 4 : index
    %get3A_218 = arith.constant 0 : index
    %get3A_219 = vector.load %arg3[%get3A_216, %get3A_217, %get3A_218] : memref<64x8x128xf32, #tpu.memory_space<vmem>>, vector<64x1x128xf32>
    %get3A_220 = vector.shape_cast %get3A_219 : vector<64x1x128xf32> to vector<64x128xf32>
    %get3A_221 = arith.constant 0 : index
    %get3A_222 = arith.constant 5 : index
    %get3A_223 = arith.constant 0 : index
    %get3A_224 = vector.load %arg3[%get3A_221, %get3A_222, %get3A_223] : memref<64x8x128xf32, #tpu.memory_space<vmem>>, vector<64x1x128xf32>
    %get3A_225 = vector.shape_cast %get3A_224 : vector<64x1x128xf32> to vector<64x128xf32>
    %get3A_226 = arith.constant 0 : index
    %get3A_227 = arith.constant 6 : index
    %get3A_228 = arith.constant 0 : index
    %get3A_229 = vector.load %arg3[%get3A_226, %get3A_227, %get3A_228] : memref<64x8x128xf32, #tpu.memory_space<vmem>>, vector<64x1x128xf32>
    %get3A_230 = vector.shape_cast %get3A_229 : vector<64x1x128xf32> to vector<64x128xf32>
    %get3A_231 = arith.constant 0 : index
    %get3A_232 = arith.constant 7 : index
    %get3A_233 = arith.constant 0 : index
    %get3A_234 = vector.load %arg3[%get3A_231, %get3A_232, %get3A_233] : memref<64x8x128xf32, #tpu.memory_space<vmem>>, vector<64x1x128xf32>
    %get3A_235 = vector.shape_cast %get3A_234 : vector<64x1x128xf32> to vector<64x128xf32>
    %concatenate3A_236 = tpu.concatenate %get3A_200, %get3A_205, %get3A_210, %get3A_215, %get3A_220, %get3A_225, %get3A_230, %get3A_235 in 1 : vector<64x128xf32>, vector<64x128xf32>, vector<64x128xf32>, vector<64x128xf32>, vector<64x128xf32>, vector<64x128xf32>, vector<64x128xf32>, vector<64x128xf32> -> vector<64x1024xf32>
    %convert_element_type3A_237 = arith.truncf %concatenate3A_236 : vector<64x1024xf32> to vector<64x1024xbf16>
    %dot_general3A_238 = arith.constant dense<0.000000e+00> : vector<1024x1024xf32>
    %dot_general3A_239 = tpu.matmul %convert_element_type3A_6, %convert_element_type3A_237, %dot_general3A_238 {dimension_numbers = #tpu.dot_dimension_numbers<[1], [0], [0], [1], [0, 0, 1, 1], [], []>, transpose_lhs_hint = false} : vector<1024x64xbf16>, vector<64x1024xbf16>, vector<1024x1024xf32> -> vector<1024x1024xf32>
    %mul3A = arith.mulf %dot_general3A_195, %dot_general3A_239 : vector<1024x1024xf32>
    %slice3A = vector.extract_strided_slice %mul3A {offsets = [0, 0], sizes = [1024, 128], strides = [1, 1]} : vector<1024x1024xf32> to vector<1024x128xf32>
    %slice3A_240 = vector.extract_strided_slice %mul3A {offsets = [0, 128], sizes = [1024, 128], strides = [1, 1]} : vector<1024x1024xf32> to vector<1024x128xf32>
    %add3A_241 = arith.addf %slice3A, %slice3A_240 : vector<1024x128xf32>
    %slice3A_242 = vector.extract_strided_slice %mul3A {offsets = [0, 256], sizes = [1024, 128], strides = [1, 1]} : vector<1024x1024xf32> to vector<1024x128xf32>
    %add3A_243 = arith.addf %add3A_241, %slice3A_242 : vector<1024x128xf32>
    %slice3A_244 = vector.extract_strided_slice %mul3A {offsets = [0, 384], sizes = [1024, 128], strides = [1, 1]} : vector<1024x1024xf32> to vector<1024x128xf32>
    %add3A_245 = arith.addf %add3A_243, %slice3A_244 : vector<1024x128xf32>
    %slice3A_246 = vector.extract_strided_slice %mul3A {offsets = [0, 512], sizes = [1024, 128], strides = [1, 1]} : vector<1024x1024xf32> to vector<1024x128xf32>
    %add3A_247 = arith.addf %add3A_245, %slice3A_246 : vector<1024x128xf32>
    %slice3A_248 = vector.extract_strided_slice %mul3A {offsets = [0, 640], sizes = [1024, 128], strides = [1, 1]} : vector<1024x1024xf32> to vector<1024x128xf32>
    %add3A_249 = arith.addf %add3A_247, %slice3A_248 : vector<1024x128xf32>
    %slice3A_250 = vector.extract_strided_slice %mul3A {offsets = [0, 768], sizes = [1024, 128], strides = [1, 1]} : vector<1024x1024xf32> to vector<1024x128xf32>
    %add3A_251 = arith.addf %add3A_249, %slice3A_250 : vector<1024x128xf32>
    %slice3A_252 = vector.extract_strided_slice %mul3A {offsets = [0, 896], sizes = [1024, 128], strides = [1, 1]} : vector<1024x1024xf32> to vector<1024x128xf32>
    %add3A_253 = arith.addf %add3A_251, %slice3A_252 : vector<1024x128xf32>
    %get3A_254 = arith.constant 0 : index
    %get3A_255 = arith.constant 0 : index
    %get3A_256 = vector.load %arg4[%get3A_254, %get3A_255] : memref<64x128xf32, #tpu.memory_space<vmem>>, vector<64x128xf32>
    %dot_general3A_257 = arith.constant dense<0.000000e+00> : vector<1024x128xf32>
    %dot_general3A_258 = tpu.matmul %convert_element_type3A_5, %get3A_256, %dot_general3A_257 {dimension_numbers = #tpu.dot_dimension_numbers<[1], [0], [0], [1], [0, 0, 1, 1], [], []>, transpose_lhs_hint = false} : vector<1024x64xf32>, vector<64x128xf32>, vector<1024x128xf32> -> vector<1024x128xf32>
    %add3A_259 = arith.addf %add3A_253, %dot_general3A_258 : vector<1024x128xf32>
    %mul3A_260 = arith.mulf %add3A_259, %get3A_3 : vector<1024x128xf32>
    %get3A_261 = arith.constant 0 : index
    %get3A_262 = arith.constant 0 : index
    %get3A_263 = vector.load %arg10[%get3A_261, %get3A_262] : memref<128x8xf32, #tpu.memory_space<vmem>>, vector<128x8xf32>
    %dot_general3A_264 = arith.constant dense<0.000000e+00> : vector<1024x8xf32>
    %dot_general3A_265 = tpu.matmul %mul3A_260, %get3A_263, %dot_general3A_264 {dimension_numbers = #tpu.dot_dimension_numbers<[1], [0], [0], [1], [0, 0, 1, 1], [], []>, transpose_lhs_hint = false} : vector<1024x128xf32>, vector<128x8xf32>, vector<1024x8xf32> -> vector<1024x8xf32>
    %get3A_266 = arith.constant 0 : index
    %get3A_267 = arith.constant 0 : index
    %get3A_268 = vector.load %arg11[%get3A_266, %get3A_267] : memref<1x8xf32, #tpu.memory_space<vmem>>, vector<1x8xf32>
    %add3A_269 = vector.broadcast %get3A_268 : vector<1x8xf32> to vector<1024x8xf32>
    %add3A_270 = arith.addf %dot_general3A_265, %add3A_269 : vector<1024x8xf32>
    %max3A_271 = arith.constant 0.000000e+00 : f32
    %max3A_272 = vector.broadcast %max3A_271 : f32 to vector<1024x8xf32>
    %max3A_273 = arith.maximumf %add3A_270, %max3A_272 : vector<1024x8xf32>
    %get3A_274 = arith.constant 0 : index
    %get3A_275 = arith.constant 0 : index
    %get3A_276 = vector.load %arg12[%get3A_274, %get3A_275] : memref<1x8xf32, #tpu.memory_space<vmem>>, vector<1x8xf32>
    %reshape3A_277 = vector.shape_cast %get3A_276 : vector<1x8xf32> to vector<8x1xf32>
    %dot_general3A_278 = arith.constant dense<0.000000e+00> : vector<1024x1xf32>
    %dot_general3A_279 = tpu.matmul %max3A_273, %reshape3A_277, %dot_general3A_278 {dimension_numbers = #tpu.dot_dimension_numbers<[1], [0], [0], [1], [0, 0, 1, 1], [], []>, transpose_lhs_hint = false} : vector<1024x8xf32>, vector<8x1xf32>, vector<1024x1xf32> -> vector<1024x1xf32>
    %reshape3A_280 = vector.shape_cast %dot_general3A_279 : vector<1024x1xf32> to vector<1024xf32>
    %get3A_281 = arith.constant 0 : index
    %get3A_282 = arith.constant 0 : index
    %get3A_283 = vector.load %arg13[%get3A_281, %get3A_282] : memref<1x1xf32, #tpu.memory_space<vmem>>, vector<1x1xf32>
    %get3A_284 = vector.extract %get3A_283[0, 0] : f32 from vector<1x1xf32>
    %add3A_285 = vector.broadcast %get3A_284 : f32 to vector<1024xf32>
    %add3A_286 = arith.addf %reshape3A_280, %add3A_285 : vector<1024xf32>
    %neg3A = arith.constant 0.000000e+00 : f32
    %neg3A_287 = vector.broadcast %neg3A : f32 to vector<1024xf32>
    %neg3A_288 = arith.subf %neg3A_287, %add3A_286 : vector<1024xf32>
    %exp3A_289 = math.exp %neg3A_288 : vector<1024xf32>
    %add3A_290 = arith.constant 1.000000e+00 : f32
    %add3A_291 = vector.broadcast %add3A_290 : f32 to vector<1024xf32>
    %add3A_292 = arith.addf %add3A_291, %exp3A_289 : vector<1024xf32>
    %div3A_293 = arith.constant 1.000000e+00 : f32
    %div3A_294 = vector.broadcast %div3A_293 : f32 to vector<1024xf32>
    %div3A_295 = arith.divf %div3A_294, %add3A_292 : vector<1024xf32>
    %swap3A = arith.constant 0 : index
    %swap3A_296 = vector.load %arg14[%swap3A] : memref<1024xf32, #tpu.memory_space<vmem>>, vector<1024xf32>
    tpu.vector_store %arg14[%swap3A], %div3A_295 {strides = array<i32>} : memref<1024xf32, #tpu.memory_space<vmem>>, vector<1024xf32>,
    return
  }
  func.func @transform_0(%arg0: i32) -> i32 {
    %c0_i32 = arith.constant 0 : i32
    %c0_i32_0 = arith.constant 0 : i32
    return %c0_i32 : i32
  }
  func.func @transform_1(%arg0: i32) -> (i32, i32) {
    %c0_i32 = arith.constant 0 : i32
    %c0_i32_0 = arith.constant 0 : i32
    %c0_i32_1 = arith.constant 0 : i32
    return %c0_i32, %c0_i32_0 : i32, i32
  }
  func.func @transform_2(%arg0: i32) -> (i32, i32, i32) {
    %c0_i32 = arith.constant 0 : i32
    %c0_i32_0 = arith.constant 0 : i32
    %c0_i32_1 = arith.constant 0 : i32
    %c0_i32_2 = arith.constant 0 : i32
    return %c0_i32, %c0_i32_0, %c0_i32_1 : i32, i32, i32
  }
  func.func @transform_3(%arg0: i32) -> (i32, i32) {
    %c0_i32 = arith.constant 0 : i32
    %c0_i32_0 = arith.constant 0 : i32
    %c0_i32_1 = arith.constant 0 : i32
    return %c0_i32, %c0_i32_0 : i32, i32
  }
  func.func @transform_4(%arg0: i32) -> (i32, i32) {
    %c0_i32 = arith.constant 0 : i32
    %c0_i32_0 = arith.constant 0 : i32
    %c0_i32_1 = arith.constant 0 : i32
    return %c0_i32, %c0_i32_0 : i32, i32
  }
  func.func @transform_5(%arg0: i32) -> (i32, i32) {
    %c1_i32 = arith.constant 1 : i32
    %c0_i32 = arith.constant 0 : i32
    %c0_i32_0 = arith.constant 0 : i32
    return %c1_i32, %c0_i32 : i32, i32
  }
  func.func @transform_6(%arg0: i32) -> (i32, i32) {
    %c0_i32 = arith.constant 0 : i32
    %c0_i32_0 = arith.constant 0 : i32
    %c0_i32_1 = arith.constant 0 : i32
    return %c0_i32, %c0_i32_0 : i32, i32
  }
  func.func @transform_7(%arg0: i32) -> (i32, i32) {
    %c0_i32 = arith.constant 0 : i32
    %c0_i32_0 = arith.constant 0 : i32
    %c0_i32_1 = arith.constant 0 : i32
    return %c0_i32, %c0_i32_0 : i32, i32
  }
  func.func @transform_8(%arg0: i32) -> (i32, i32) {
    %c0_i32 = arith.constant 0 : i32
    %c0_i32_0 = arith.constant 0 : i32
    %c0_i32_1 = arith.constant 0 : i32
    return %c0_i32, %c0_i32_0 : i32, i32
  }
  func.func @transform_9(%arg0: i32) -> (i32, i32) {
    %c0_i32 = arith.constant 0 : i32
    %c0_i32_0 = arith.constant 0 : i32
    %c0_i32_1 = arith.constant 0 : i32
    return %c0_i32, %c0_i32_0 : i32, i32
  }
  func.func @transform_10(%arg0: i32) -> (i32, i32) {
    %c0_i32 = arith.constant 0 : i32
    %c0_i32_0 = arith.constant 0 : i32
    %c0_i32_1 = arith.constant 0 : i32
    return %c0_i32, %c0_i32_0 : i32, i32
  }
  func.func @transform_11(%arg0: i32) -> (i32, i32) {
    %c0_i32 = arith.constant 0 : i32
    %c0_i32_0 = arith.constant 0 : i32
    %c0_i32_1 = arith.constant 0 : i32
    return %c0_i32, %c0_i32_0 : i32, i32
  }
  func.func @transform_12(%arg0: i32) -> (i32, i32) {
    %c0_i32 = arith.constant 0 : i32
    %c0_i32_0 = arith.constant 0 : i32
    %c0_i32_1 = arith.constant 0 : i32
    return %c0_i32, %c0_i32_0 : i32, i32
  }
  func.func @transform_13(%arg0: i32) -> i32 {
    %c0_i32 = arith.constant 0 : i32
    %c0_i32_0 = arith.constant 0 : i32
    return %c0_i32 : i32
  }
}

</mosaic_0001>

<sc_bundles>
// kernel: kernel.4.cloned.1.call-start
scs
__scs_entry_jumppad:
0x0: {  	(pc) =	sbr.rel $0x88, $3  }
0x1: {  	(tag) =	ssettag $0x0;
	lr =	simm.s32 $0x1  }
0x2: {  	[smem:$0x3F93] =	sst lr;
	_ =	strace $0xD0000000  }
0x3: {  	_ = 	snop  }
0x4: {  	_ = 	snop  }
0x5: {  	_ = 	snop  }
0x6: {  	_ = 	snop  }
0x7: {  	_ = 	snop  }
__scs_overlays_trampoline_lowered:
0x8: {  	[smem:$0x3FA2] =	sst s0  }
0x9: {  	[smem:$0x3FA3] =	sst s1  }
0xa: {  	[smem:$0x3FA4] =	sst s2  }
0xb: {  	[smem:$0x3FA5] =	sst s3  }
0xc: {  	[smem:$0x3FA6] =	sst s4  }
0xd: {  	[smem:$0x3FA7] =	sst s5  }
0xe: {  	[smem:$0x3FA8] =	sst s6  }
0xf: {  	[smem:$0x3FA9] =	sst s7  }
0x10: {  	[smem:$0x3FAA] =	sst s8  }
0x11: {  	[smem:$0x3FAB] =	sst s9;
	s0 =	simm.s32 @!p0 $0x0  }
0x12: {  	s1 =	sld [smem:$0x3F91];
	s0 =	simm.s32 @p0 $0x1  }
0x13: {  	[smem:$0x3FAC] =	sst s0;
	s0 =	simm.s32 @!p1 $0x0  }
0x14: {  	s2 =	sld [smem:$0x3F90];
	s0 =	simm.s32 @p1 $0x1  }
0x15: {  	[smem:$0x3FAD] =	sst s0;
	s0 =	simm.s32 @!p2 $0x0  }
0x16: {  	s3 =	sld [smem:$0x3FDB];
	s0 =	simm.s32 @p2 $0x1  }
0x17: {  	s4 =	simm.s32 $0x1BF5;
	[smem:$0x3FAF] =	sst s0  }
0x18: {  	s0 =	sld [smem:$0x3F92];
	_ =	swait.ge [sflag:s4], $0x0  }
0x19: {  	s7 =	sld [smem:$0x3F93]  }
0x1a: {  	s8 =	sadd.s32 $0xFFFFE003, lr  }
0x1b: {  	s9 =	sadd.s32 $0xFFFFFEF7, lr;
	s5 =	simm.s32 $0xFFFFFFFF;
	p2 =	slt.u32 s8, $0xFFFFF086  }
0x1c: {  	p1 =	slt.u32 s9, $0xF7A;
	s5 =	simm.s32 @!p2 $0x0  }
0x1d: {  	s5 =	simm.s32 @p1 $0x1;
	p0 =	seq.s32 s7, s2  }
0x1e: {  	s7 =	smul.u32 @!p0 $0xF7A, s2;
	p2 =	seq.s32 @!p0 s5, $0x0  }
0x1f: {  	s9 =	smul.u32 $0xF7A, s1;
	s8 =	simm.s32 @!p0 $0x1BF5;
	p2 =	por !p2, p0  }
0x20: {  	[sflag:s8] =	ssyncset.s32 @!p0 $0xFFFFF086;
	s6 =	sadd.s32 @!p0 s3, s7;
	s7 =	simm.s32 @!p0 $0x108  }
0x21: {  	s3 =	sadd.s32 s3, s9;
	s6 =	sadd.s32 @!p0 $0x88, s6;
	s7 =	simm.s32 @p2 $0x1082  }
0x22: {  	[simem:s7], [sflag:s8] =	dma.local @!p0 [hbm:s6], $0xF7A  }
0x23: {  	s9 =	sor.u32 $0xD0000000, s2;
	s6 =	simm.s32 $0x108;
	_ =	swait.ge @!p0 [sflag:s8], $0x0  }
0x24: {  	s3 =	sadd.s32 $0x88, s3;
	s6 =	simm.s32 @!p1 $0x1082;
	[sflag:s4] =	ssyncset.s32 $0xFFFFF086  }
0x25: {  	[simem:s6], [sflag:s4] =	dma.local [hbm:s3], $0xF7A  }
0x26: {  	[smem:$0x3F93] =	sst s1;
	(tag) =	ssettag s2;
	_ =	strace s9  }
0x27: {  	s1 =	sld [smem:$0x3FA3]  }
0x28: {  	s2 =	sld [smem:$0x3FA4]  }
0x29: {  	s4 =	sld [smem:$0x3FA6]  }
0x2a: {  	p0 =	seq.s32 s5, $0x0;
	s5 =	sld [smem:$0x3FA7]  }
0x2b: {  	s6 =	sld [smem:$0x3FA8]  }
0x2c: {  	s7 =	sld [smem:$0x3FA9]  }
0x2d: {  	s3 =	simm.s32 $0x108;
	s8 =	sld [smem:$0x3FAA]  }
0x2e: {  	s3 =	simm.s32 @!p0 $0x1082;
	s9 =	sld [smem:$0x3FAB]  }
0x2f: {  	lr =	sadd.s32 s0, s3;
	s0 =	sld [smem:$0x3FA2]  }
0x30: {  	s3 =	sld [smem:$0x3FA5]  }
0x31: {  	[smem:$0x3FAE] =	sst s10  }
0x32: {  	s10 =	sld [smem:$0x3FAC];
	_ =	sdelay $0x3  }
0x33: {  	p0 =	seq.s32 s10, $0x1;
	s10 =	sld [smem:$0x3FAE];
	_ =	sdelay $0x3  }
0x34: {  	[smem:$0x3FAE] =	sst s10  }
0x35: {  	s10 =	sld [smem:$0x3FAD];
	_ =	sdelay $0x3  }
0x36: {  	p1 =	seq.s32 s10, $0x1;
	s10 =	sld [smem:$0x3FAE];
	_ =	sdelay $0x3  }
0x37: {  	[smem:$0x3FAE] =	sst s10  }
0x38: {  	s10 =	sld [smem:$0x3FAF]  }
0x39: {  	_ = 	snop;
	(pc) =	sbr.ind lr, $3  }
0x3a: {  	_ = 	snop  }
0x3b: {  	_ = 	snop  }
0x3c: {  	p2 =	seq.s32 s10, $0x1;
	s10 =	sld [smem:$0x3FAE]  }
0x3d: {  	_ =	shalt  }
0x3e: {  	_ =	shalt  }
0x3f: {  	_ =	shalt  }
0x40: {  	_ =	shalt  }
0x41: {  	_ =	shalt  }
0x42: {  	_ =	shalt  }
0x43: {  	_ =	shalt  }
0x44: {  	_ =	shalt  }
0x45: {  	_ =	shalt  }
0x46: {  	_ =	shalt  }
0x47: {  	_ =	shalt  }
0x48: {  	_ =	shalt  }
0x49: {  	_ =	shalt  }
0x4a: {  	_ =	shalt  }
0x4b: {  	_ =	shalt  }
0x4c: {  	_ =	shalt  }
0x4d: {  	_ =	shalt  }
0x4e: {  	_ =	shalt  }
0x4f: {  	_ =	shalt  }
0x50: {  	_ =	shalt  }
0x51: {  	_ =	shalt  }
0x52: {  	_ =	shalt  }
0x53: {  	_ =	shalt  }
0x54: {  	_ =	shalt  }
0x55: {  	_ =	shalt  }
0x56: {  	_ =	shalt  }
0x57: {  	_ =	shalt  }
0x58: {  	_ =	shalt  }
0x59: {  	_ =	shalt  }
0x5a: {  	_ =	shalt  }
0x5b: {  	_ =	shalt  }
0x5c: {  	_ =	shalt  }
0x5d: {  	_ =	shalt  }
0x5e: {  	_ =	shalt  }
0x5f: {  	_ =	shalt  }
0x60: {  	_ =	shalt  }
0x61: {  	_ =	shalt  }
0x62: {  	_ =	shalt  }
0x63: {  	_ =	shalt  }
0x64: {  	_ =	shalt  }
0x65: {  	_ =	shalt  }
0x66: {  	_ =	shalt  }
0x67: {  	_ =	shalt  }
0x68: {  	_ =	shalt  }
0x69: {  	_ =	shalt  }
0x6a: {  	_ =	shalt  }
0x6b: {  	_ =	shalt  }
0x6c: {  	_ =	shalt  }
0x6d: {  	_ =	shalt  }
0x6e: {  	_ =	shalt  }
0x6f: {  	_ =	shalt  }
0x70: {  	_ =	shalt  }
0x71: {  	_ =	shalt  }
0x72: {  	_ =	shalt  }
0x73: {  	_ =	shalt  }
0x74: {  	_ =	shalt  }
0x75: {  	_ =	shalt  }
0x76: {  	_ =	shalt  }
0x77: {  	_ =	shalt  }
0x78: {  	_ =	shalt  }
0x79: {  	_ =	shalt  }
0x7a: {  	_ =	shalt  }
0x7b: {  	_ =	shalt  }
0x7c: {  	_ =	shalt  }
0x7d: {  	_ =	shalt  }
0x7e: {  	_ =	shalt  }
0x7f: {  	_ =	shalt  }
0x80: {  	_ =	shalt  }
0x81: {  	_ =	shalt  }
0x82: {  	_ =	shalt  }
0x83: {  	_ =	shalt  }
0x84: {  	_ =	shalt  }
0x85: {  	_ =	shalt  }
0x86: {  	_ =	shalt  }
0x87: {  	_ =	shalt  }
.Lfunc_end0:
.L_simem_size_0:
called_computation_lowered:
.L_overlay_start_0:
0x88: {  	s2 =	sld [smem:$0x3FD9]  }
0x89: {  	s3 =	sld [smem:$0x3FFE];
	_ =	sdelay $0x1  }
0x8a: {  	s1 =	srdreg.scid  }
0x8b: {  	s0 =	sand.u32 $0x1, s1  }
0x8c: {  	s17 =	sshll.u32 s0, $0xA;
	s2 =	sadd.s32 s3, s2  }
0x8d: {  	s2 =	sadd.s32 s2, s17  }
0x8e: {  	[smem:$0x3FBA] =	sst s2  }
0x8f: {  	_ = 	snop  }
0x90: {  	s2 =	sld [smem:$0x3FC8]  }
0x91: {  	s18 =	sld [smem:$0x3FC6]  }
0x92: {  	s4 =	sld [smem:$0x3FC5];
	(tm) =	ssettm $0x1  }
0x93: {  	s5 =	sld [smem:$0x3FFB];
	_ =	sdelay $0x3  }
0x94: {  	_ =	strace s5  }
0x95: {  	s5 =	sld [smem:$0x3FFC];
	_ =	sdelay $0x3  }
0x96: {  	_ =	strace s5  }
0x97: {  	s5 =	sld [smem:$0x3FFD];
	_ =	sdelay $0x3  }
0x98: {  	_ =	strace s5  }
0x99: {  	_ =	strace $0x8FFFFFFF  }
0x9a: {  	s19 =	sld [smem:$0x3FDB];
	_ =	sdelay $0x1  }
0x9b: {  	s6 =	simm.s32 $_scs_section_size  }
0x9c: {  	s7 =	simm.s32 $_size__tile_overlayer_lowered;
	s8 =	simm.s32 $_tile_overlayer_lowered  }
0x9d: {  	s22 =	simm.s32 $0x1BFF;
	s21 =	sshll.u32 s8, $0x1;
	s5 =	sadd.s32 s6, s19  }
0x9e: {  	s9 =	simm.s32 $0x0;
	s20 =	sshll.u32 s7, $0x1;
	s7 =	sadd.s32 s21, s5  }
0x9f: {  	[timem:s9], [sflag:s22] =	dma.local [hbm:s7], s20  }
0xa0: {  	_ =	swait.ge [sflag:s22], s20  }
0xa1: {  	s6 =	ssub.s32 $0x0, s20;
	[sflag:s22] =	ssyncset.done $0x0  }
0xa2: {  	[sflag:s22] =	ssyncadd.s32 s6;
	_ =	sdelay $0x1  }
0xa3: {  	s23 =	simm.s32 $0x1B8B  }
0xa4: {  	_ =	swait.ge [sflag:s23], $0x1  }
0xa5: {  	[sflag:s23] =	ssyncset.done $0x0  }
0xa6: {  	s25 =	simm.s32 $0x1B8E;
	s24 =	sld [smem:$0x3FFE];
	[sflag:s23] =	ssyncadd.s32 $0xFFFFFFFF  }
0xa7: {  	s26 =	simm.s32 $execute0_lowered;
	[smem:$0x3FD2] =	sst s25  }
0xa8: {  	s7 =	sshll.u32 s26, $0x1;
	_ =	strace $0x80000046;
	[dreg:$0x1] =	wrdreg $0xFFFFFFFF  }
0xa9: {  	s28 =	simm.s32 $_size_execute0_lowered;
	s5 =	sadd.s32 s5, s7;
	[dreg:$0x0] =	wrdreg $0x0  }
0xaa: {  	s7 =	sshll.u32 s28, $0x1;
	[dreg:$0x2] =	wrdreg s5  }
0xab: {  	[dreg:$0x3] =	wrdreg s7  }
0xac: {  	[dreg:$0x4] =	wrdreg $0xC0  }
0xad: {  	_ =	task [dreg:s9], $0x5FFFF  }
0xae: {  	[dreg:$0x1] =	wrdreg $0xFFFFFFFF  }
0xaf: {  	[dreg:$0x0] =	wrdreg $0x60  }
0xb0: {  	[dreg:$0x2] =	wrdreg s24  }
0xb1: {  	[dreg:$0x3] =	wrdreg s2  }
0xb2: {  	[dreg:$0x4] =	wrdreg s18  }
0xb3: {  	[dreg:$0x5] =	wrdreg s4  }
0xb4: {  	[dreg:$0x6] =	wrdreg $0x9  }
0xb5: {  	_ =	task.clear_ibuf [dreg:s9], $0x7FFFF;
	_ =	strace $0x90000046  }
0xb6: {  	s29 =	simm.s32 $0x9;
	_ =	strace $0x80000048  }
0xb7: {  	_ =	swait.ge [sflag:s29], $0x1  }
0xb8: {  	[sflag:s29] =	ssyncadd.s32 $0xFFFFFFFF  }
0xb9: {  	_ =	strace $0x90000048  }
0xba: {  	_ =	sfence  }
0xbb: {  	s30 =	sld [smem:$0x0];
	_ =	sdelay $0x2  }
0xbc: {  	s31 =	sshll.u32 s1, $0xD;
	s1 =	sshrl.u32 s1, $0x2  }
0xbd: {  	s3 =	sand.u32 $0x4000, s31;
	s1 =	sadd.s32 s1, s30  }
0xbe: {  	s0 =	sor.u32 s3, s0;
	s1 =	sshll.u32 s1, $0x11  }
0xbf: {  	s0 =	sor.u32 s1, s0  }
0xc0: {  	s0 =	sadd.s32 $0x8F2B, s0  }
0xc1: {  	[sflag:s0] =	ssyncadd.remote.s32 $0x1  }
0xc2: {  	_ =	sfence.sel $0xFFFF  }
0xc3: {  	[dreg:$0x0] =	wrdreg $0xFFFFFFFF;
	(pc) =	sbr.abs _section_cstart, $3  }
0xc4: {  	[dreg:$0x1] =	wrdreg $0xFFFFFFFF  }
0xc5: {  	_ =	task.clear_ibuf [dreg:s9], $0x2FFFF;
	_ =	strace $0x9FFFFFFF  }
0xc6: {  	(tm) =	ssettm $0x7FFFFFFF  }
0xc7: {  	_ =	shalt  }
tec
execute0_lowered:
.L_overlay_start_1:
0x0: {  	(tag) =	ssettag $0x1  }
0x1: {  	s16 =	rddreg [dreg:$0x0]  }
0x2: {  	s6 =	rddreg [dreg:$0x1]  }
0x3: {  	s1 =	srdreg.scid;
	s0 =	stileid.u32  }
0x4: {  	s2 =	rddreg [dreg:$0x2];
	s17 =	sand.u32 $0x1, s1;
	s29 =	sshll.u32 s0, $0x1  }
0x5: {  	s3 =	rddreg [dreg:$0x3];
	s18 =	sor.u32 s17, s29  }
0x6: {  	s4 =	simm.s32 $0x0;
	s1 =	rddreg [dreg:$0x4];
	s5 =	sshll.u32 s18, $0x5  }
0x7: {  	[smem:$0x7FF] =	sst s4;
	s5 =	sadd.s32 s5, s16  }
0x8: {  	_ =	strace $0x80000047;
	s7 =	sshll.u32 s18, $0x2;
	s5 =	sadd.s32 $0x1C00, s5  }
0x9: {  	[tilespmem:s4], [sflag:$0x2] =	stream.linear.gather [hbm4b:s5+s4], $0x100, $0x38;
	[tilespmem:$0x1980] =	vst v63  }
0xa: {  	s8 =	simm.s32 $0x100;
	s6 =	sadd.s32 s6, s7;
	s7 =	simm.s32 $0x2  }
0xb: {  	[tilespmem:s8], [sflag:$0x2] =	stream.linear.gather [hbm4b:s6+s4], $0x20, $0x38;
	[tilespmem:$0x1980] =	vst v63  }
0xc: {  	_ =	swait.ge [sflag:s7], $0x100  }
0xd: {  	[sflag:s7] =	ssyncset.done $0x0  }
0xe: {  	[sflag:s7] =	ssyncadd.s32 $0xFFFFFF00  }
0xf: {  	_ =	swait.ge [sflag:s7], $0x20  }
0x10: {  	[sflag:s7] =	ssyncset.done $0x0  }
0x11: {  	s9 =	simm.s32 $0x8;
	s10 =	simm.s32 $0x180;
	[sflag:s7] =	ssyncadd.s32 $0xFFFFFFE0  }
0x12: {  	[tilespmem:s10], [sflag:$0x1] =	stream.indirect.gather [hbm4b:s2+s9], $0x80, s4, s9, $0xb8;
	[tilespmem:$0x1980] =	vst v63  }
0x13: {  	s11 =	simm.s32 $0x80;
	s12 =	simm.s32 $0x580  }
0x14: {  	[tilespmem:s12], [sflag:$0x1] =	stream.indirect.gather [hbm4b:s2+s9], $0x80, s11, s9, $0xb8;
	[tilespmem:$0x1980] =	vst v63  }
0x15: {  	s13 =	simm.s32 $0x20;
	s14 =	simm.s32 $0x980;
	s15 =	simm.s32 $0x1  }
0x16: {  	[tilespmem:s14], [sflag:$0x1] =	stream.indirect.gather [hbm4b:s3+s13], $0x80, s8, s13, $0xb8;
	[tilespmem:$0x1980] =	vst v63  }
0x17: {  	_ =	swait.ge [sflag:s15], $0x400  }
0x18: {  	[sflag:s15] =	ssyncset.done $0x0  }
0x19: {  	[sflag:s15] =	ssyncadd.s32 $0xFFFFFC00  }
0x1a: {  	_ =	swait.ge [sflag:s15], $0x400  }
0x1b: {  	s30 =	ssub.s32 $0x2, s17;
	s19 =	sshll.u32 s18, $0x8;
	[sflag:s15] =	ssyncset.done $0x0  }
0x1c: {  	s18 =	sshll.u32 s18, $0x9;
	s31 =	sshrl.u32 s30, $0x1;
	[sflag:s15] =	ssyncadd.s32 $0xFFFFFC00  }
0x1d: {  	s19 =	sadd.s32 s19, s16;
	s18 =	sadd.s32 s18, s16;
	_ =	swait.ge [sflag:s15], $0x1000  }
0x1e: {  	s17 =	sadd.s32 $0x2000, s18;
	s18 =	ssub.s32 s30, s31;
	[sflag:s15] =	ssyncset.done $0x0  }
0x1f: {  	s16 =	sadd.s32 $0x6000, s19;
	s18 =	smax.u32 s18, $0x1;
	[sflag:s15] =	ssyncadd.s32 $0xFFFFF000  }
0x20: {  	[hbm4b:s16+s4] =	stream.linear.scatter [tilespmem:s10], [sflag:$0x2], $0x800, $0x38;
	[tilespmem:$0x1980] =	vst v63  }
0x21: {  	p0 =	sne.s32 s18, $0x1  }
0x22: {  	[hbm4b:s17+s4] =	stream.linear.scatter [tilespmem:s14], [sflag:$0x2], $0x1000, $0x38;
	[tilespmem:$0x1980] =	vst v63  }
.Ltmp0:
0x23: {  	_ =	swait.ge [sflag:s7], $0x800;
	(pc) =	sbr.rel @!p0 .LBB2_2-.Ltmp0, $4  }
0x24: {  	[sflag:s7] =	ssyncset.done $0x0  }
0x25: {  	[sflag:s7] =	ssyncadd.s32 $0xFFFFF800  }
0x26: {  	_ =	swait.ge [sflag:s7], $0x1000  }
0x27: {  	s18 =	sadd.s32 $0xFFFFFFFF, s18;
	[sflag:s7] =	ssyncset.done $0x0  }
.LBB2_1:
0x28: {  	p0 =	sne.s32 s18, $0x1;
	s18 =	sadd.s32 $0xFFFFFFFF, s18;
	[sflag:s7] =	ssyncadd.s32 $0xFFFFF000  }
0x29: {  	[tilespmem:s4], [sflag:$0x2] =	stream.linear.gather [hbm4b:s5+s4], $0x100, $0x38;
	[tilespmem:$0x1980] =	vst v63  }
0x2a: {  	_ = 	snop  }
0x2b: {  	[tilespmem:s8], [sflag:$0x2] =	stream.linear.gather [hbm4b:s6+s4], $0x20, $0x38;
	[tilespmem:$0x1980] =	vst v63  }
0x2c: {  	_ =	swait.ge [sflag:s7], $0x100  }
0x2d: {  	[sflag:s7] =	ssyncset.done $0x0  }
0x2e: {  	[sflag:s7] =	ssyncadd.s32 $0xFFFFFF00  }
0x2f: {  	_ =	swait.ge [sflag:s7], $0x20  }
0x30: {  	[sflag:s7] =	ssyncset.done $0x0  }
0x31: {  	[sflag:s7] =	ssyncadd.s32 $0xFFFFFFE0  }
0x32: {  	[tilespmem:s10], [sflag:$0x1] =	stream.indirect.gather [hbm4b:s2+s9], $0x80, s4, s9, $0xb8;
	[tilespmem:$0x1980] =	vst v63  }
0x33: {  	_ = 	snop  }
0x34: {  	[tilespmem:s12], [sflag:$0x1] =	stream.indirect.gather [hbm4b:s2+s9], $0x80, s11, s9, $0xb8;
	[tilespmem:$0x1980] =	vst v63  }
0x35: {  	_ = 	snop  }
0x36: {  	[tilespmem:s14], [sflag:$0x1] =	stream.indirect.gather [hbm4b:s3+s13], $0x80, s8, s13, $0xb8;
	[tilespmem:$0x1980] =	vst v63  }
0x37: {  	_ =	swait.ge [sflag:s15], $0x400  }
0x38: {  	[sflag:s15] =	ssyncset.done $0x0  }
0x39: {  	[sflag:s15] =	ssyncadd.s32 $0xFFFFFC00  }
0x3a: {  	_ =	swait.ge [sflag:s15], $0x400  }
0x3b: {  	[sflag:s15] =	ssyncset.done $0x0  }
0x3c: {  	[sflag:s15] =	ssyncadd.s32 $0xFFFFFC00  }
0x3d: {  	_ =	swait.ge [sflag:s15], $0x1000  }
0x3e: {  	[sflag:s15] =	ssyncset.done $0x0  }
0x3f: {  	[sflag:s15] =	ssyncadd.s32 $0xFFFFF000  }
0x40: {  	[hbm4b:s16+s4] =	stream.linear.scatter [tilespmem:s10], [sflag:$0x2], $0x800, $0x38;
	[tilespmem:$0x1980] =	vst v63  }
0x41: {  	_ = 	snop  }
0x42: {  	[hbm4b:s17+s4] =	stream.linear.scatter [tilespmem:s14], [sflag:$0x2], $0x1000, $0x38;
	[tilespmem:$0x1980] =	vst v63  }
.Ltmp1:
0x43: {  	_ =	swait.ge [sflag:s7], $0x800;
	(pc) =	sbr.rel @p0 .LBB2_1-.Ltmp1, $4  }
0x44: {  	[sflag:s7] =	ssyncset.done $0x0  }
0x45: {  	[sflag:s7] =	ssyncadd.s32 $0xFFFFF800  }
0x46: {  	_ =	swait.ge [sflag:s7], $0x1000  }
0x47: {  	[sflag:s7] =	ssyncset.done $0x0  }
.LBB2_2:
0x48: {  	[sflag:s7] =	ssyncadd.s32 $0xFFFFF000  }
0x49: {  	_ =	sfence.sel $0x180000  }
0x4a: {  	[bflag:$0x0] =	sbarrier.arrive $0xFFFF  }
0x4b: {  	p0 =	sne.s32 s0, $0x0;
	_ =	strace $0x90000047  }
0x4c: {  	s0 =	sadd.s32 @!p0 $0x100000, s1;
	[bflag:$0x2] =	sbarrier.arrive $0xFFFF  }
0x4d: {  	[sflag:s0] =	ssyncadd.tile.s32 @!p0 $0x1;
	_ =	shalt  }
.Lfunc_end2:
_tile_overlayer_lowered:
.L_overlay_start_2:
0x4e: {  	(tag) =	ssettag $0x2  }
0x4f: {  	s0 =	rddreg [dreg:$0x0];
	s2 =	stileid.u32  }
0x50: {  	s1 =	rddreg [dreg:$0x1];
	p0 =	sne.s32 s2, $0x0  }
0x51: {  	s3 =	rddreg [dreg:$0x2];
	[bflag:$0x3] =	sbarrier.arrive $0xFFFF;
	s2 =	simm.s32 @!p0 $0x1C03  }
0x52: {  	[timem:s3], [sflag:s2] =	dma.local @!p0 [hbm:s0], s1  }
0x53: {  	s0 =	simm.s32 @!p0 $0x3  }
0x54: {  	_ =	swait.ge @!p0 [sflag:s0], s1  }
0x55: {  	s1 =	ssub.s32 @!p0 $0x0, s1;
	[sflag:s0] =	ssyncset.done @!p0 $0x0  }
0x56: {  	[sflag:s0] =	ssyncadd.s32 @!p0 s1  }
0x57: {  	[bflag:$0x3] =	sbarrier.arrive $0xFFFF  }
0x58: {  	_ =	shalt  }

</sc_bundles>
